<compile_context>
chip_gen: v7x
topology: tpu7x:2x2x1
jax: 0.10.2.dev20260603
libtpu: 0.0.44.dev20260713+nightly
codegen_flags: <defaults>
</compile_context>

<pallas_src>
import functools

import jax
import jax.numpy as jnp
from jax import lax
from jax.experimental import pallas as pl
from jax.experimental.pallas import tpu as pltpu
from jax.experimental.pallas import tpu_sc as plsc

N_NODES = 10000
D_FEAT = 128
NUM_GRAPHS = 64
NC = 2
NS = 16
SUB = 80
NSUB = N_NODES // SUB
ROUNDS = -(-NSUB // (NC * NS))


def _sc_pool_body(x_hbm, batch_hbm, zacc_hbm,
                  sums_hbm,
                  xbuf, idxbuf, lsems, isems,
                  acc):
    cid = lax.axis_index("c")
    sid = lax.axis_index("s")
    wid = cid * NS + sid
    rows = NUM_GRAPHS // NS

    pltpu.sync_copy(
        zacc_hbm.at[pl.ds(sid * rows, rows)], acc.at[pl.ds(sid * rows, rows)]
    )

    pltpu.make_async_copy(batch_hbm.at[wid], idxbuf, isems.at[0]).start()
    for i in range(ROUNDS):
        sc = wid * ROUNDS + i

        @pl.when(sc < NSUB)
        def _():
            pltpu.make_async_copy(
                x_hbm.at[pl.ds(sc * SUB, SUB)], xbuf.at[i], lsems.at[i]
            ).start()

    plsc.subcore_barrier()
    pltpu.make_async_copy(batch_hbm.at[wid], idxbuf, isems.at[0]).wait()

    for i in range(ROUNDS):
        sc = wid * ROUNDS + i

        @pl.when(sc < NSUB)
        def _():
            pltpu.make_async_copy(
                x_hbm.at[pl.ds(sc * SUB, SUB)], xbuf.at[i], lsems.at[i]
            ).wait()
            pltpu.sync_copy(xbuf.at[i], acc.at[idxbuf.at[i]], add=True)

    plsc.subcore_barrier()

    pltpu.sync_copy(
        acc.at[pl.ds(sid * rows, rows)],
        sums_hbm.at[cid].at[pl.ds(sid * rows, rows)],
    )


def _sc_pool(x, batch):
    zacc = jnp.zeros((NUM_GRAPHS, D_FEAT), jnp.float32)
    fn = functools.partial(
        pl.kernel,
        mesh=plsc.VectorSubcoreMesh(core_axis_name="c", subcore_axis_name="s"),
        out_type=jax.ShapeDtypeStruct((NC, NUM_GRAPHS, D_FEAT), jnp.float32),
        scratch_types=[
            pltpu.VMEM((ROUNDS, SUB, D_FEAT), jnp.float32),
            pltpu.VMEM((ROUNDS, SUB), jnp.int32),
            pltpu.SemaphoreType.DMA((ROUNDS,)),
            pltpu.SemaphoreType.DMA((1,)),
            pltpu.VMEM_SHARED((NUM_GRAPHS, D_FEAT), jnp.float32),
        ],
    )(_sc_pool_body)
    nw = NC * NS
    pad = nw * ROUNDS * SUB - batch.shape[0]
    batchp = jnp.concatenate([batch, jnp.zeros((pad,), jnp.int32)])
    return fn(x, batchp.reshape(nw, ROUNDS, SUB), zacc)


def _tc_counts_body(batch_ref, inv_ref):
    batch = batch_ref[0, :]
    gids = jax.lax.broadcasted_iota(jnp.int32, (NUM_GRAPHS, batch.shape[0]), 0)
    onehot = (batch[None, :] == gids).astype(jnp.float32)
    counts = jnp.sum(onehot, axis=1, keepdims=True)
    inv_ref[...] = 1.0 / jnp.maximum(counts, 1.0)


def _tc_mlp_body(sums_ref, inv_ref, W1_ref, b1_ref, W2_ref, b2_ref, out_ref):
    s = sums_ref[0] + sums_ref[1]
    pooled = s * inv_ref[...]
    h = jnp.maximum(
        jnp.dot(pooled, W1_ref[...], preferred_element_type=jnp.float32)
        + b1_ref[...],
        0.0,
    )
    out_ref[...] = (
        jnp.dot(h, W2_ref[...], preferred_element_type=jnp.float32) + b2_ref[...]
    )


def kernel(x, edge_index, batch, W1, b1, W2, b2):
    del edge_index
    sums2 = _sc_pool(x, batch)
    inv = pl.pallas_call(
        _tc_counts_body,
        out_shape=jax.ShapeDtypeStruct((NUM_GRAPHS, 1), jnp.float32),
    )(batch.reshape(1, -1))
    out = pl.pallas_call(
        _tc_mlp_body,
        out_shape=jax.ShapeDtypeStruct((NUM_GRAPHS, W2.shape[1]), jnp.float32),
    )(sums2, inv, W1, b1.reshape(1, -1), W2, b2.reshape(1, -1))
    return out

# --- scband reference (transcript-rebuilt; emitter-appended) ---
"""Pipeline reference for scband-simplest-full-band-gat-8899172237582 (READ-ONLY COPY).

The authoritative reference and input builder live on the scoring server;
editing this copy changes nothing except your own understanding.
"""

import jax, jax.numpy as jnp
import numpy as np

N_NODES = 10000
N_EDGES = 320000
D_FEAT = 128
HIDDEN = 8
OUT_CH = 10
NUM_GRAPHS = 64


def setup_inputs(seed: int = 0) -> dict:
    key = jax.random.key(seed)
    k1, k2, k3, k4, k5, k6, k7 = jax.random.split(key, 7)
    x = jax.random.normal(k1, (N_NODES, D_FEAT), dtype=jnp.float32)
    edge_index = jax.random.randint(k2, (2, N_EDGES), 0, N_NODES, dtype=jnp.int32)
    batch = jnp.sort(jax.random.randint(k3, (N_NODES,), 0, NUM_GRAPHS, dtype=jnp.int32))
    # MLP params: Linear(in_channels=128, 8) -> ReLU -> Dropout(eval) -> Linear(8, out_channels=10)
    W1 = jax.random.normal(k4, (D_FEAT, HIDDEN), dtype=jnp.float32) * (1.0 / np.sqrt(D_FEAT))
    b1 = jnp.zeros((HIDDEN,), dtype=jnp.float32)
    W2 = jax.random.normal(k5, (HIDDEN, OUT_CH), dtype=jnp.float32) * (1.0 / np.sqrt(HIDDEN))
    b2 = jnp.zeros((OUT_CH,), dtype=jnp.float32)
    return {"x": x, "edge_index": edge_index, "batch": batch, "W1": W1, "b1": b1, "W2": W2, "b2": b2}


def reference(x, edge_index, batch, W1, b1, W2, b2):
    # global_mean_pool(x, batch): segment mean over graph ids
    sums = jax.ops.segment_sum(x, batch, num_segments=NUM_GRAPHS)
    counts = jax.ops.segment_sum(jnp.ones((x.shape[0],), dtype=x.dtype), batch, num_segments=NUM_GRAPHS)
    pooled = sums / jnp.clip(counts, 1.0, None)[:, None]
    # MLP (dropout is identity in eval mode)
    h = jnp.maximum(pooled @ W1 + b1, 0.0)
    out = h @ W2 + b2
    return out

if __name__ == "__main__":
    import jax
    _d = setup_inputs()
    print(jax.jit(kernel)(*tuple(_d.values())))

</pallas_src>

<mosaic_0001>
#map = affine_map<(d0, d1) -> (0, 0)>
#map1 = affine_map<(d0, d1) -> (0, 0, 0)>
module attributes {stable_mosaic.version = 14 : i64} {
  func.func @_sc_pool_body(%arg0: i32, %arg1: i32, %arg2: memref<10000x128xf32, #tpu.memory_space<hbm>>, %arg3: memref<32x4x80xi32, #tpu.memory_space<hbm>>, %arg4: memref<64x128xf32, #tpu.memory_space<hbm>>, %arg5: memref<2x64x128xf32, #tpu.memory_space<hbm>>, %arg6: memref<4x80x128xf32, #tpu.memory_space<vmem>>, %arg7: memref<4x80xi32, #tpu.memory_space<vmem>>, %arg8: memref<4x!tpu.dma_semaphore, #tpu.memory_space<semaphore_mem>>, %arg9: memref<1x!tpu.dma_semaphore, #tpu.memory_space<semaphore_mem>>, %arg10: memref<64x128xf32, #tpu.memory_space<vmem_shared>>) attributes {dimension_semantics = [#tpu.dimension_semantics<core_parallel>, #tpu.dimension_semantics<subcore_parallel>], iteration_bounds = array<i64: 2, 16>, scalar_prefetch = 0 : i64, scratch_operands = 5 : i64, tpu.core_type = #tpu.core_type<sc_vector_subcore>, window_params = [{transform_indices = #map}, {transform_indices = #map1}, {transform_indices = #map}, {transform_indices = #map1}]} {
    %mul3A = arith.constant 16 : i32
    %mul3A_0 = arith.muli %arg0, %mul3A : i32
    %add3A = arith.addi %mul3A_0, %arg1 : i32
    %mul3A_1 = arith.constant 4 : i32
    %mul3A_2 = arith.muli %arg1, %mul3A_1 : i32
    %mul3A_3 = arith.constant 4 : i32
    %mul3A_4 = arith.muli %arg1, %mul3A_3 : i32
    "tpu.region"() ({
      %run_scoped3A = tpu.sem_alloc : memref<!tpu.dma_semaphore, #tpu.memory_space<semaphore_mem>>
      %dma_start3A_99 = arith.constant 0 : i32
      %dma_start3A_100 = tpu.memref_slice %arg10[%mul3A_4, %dma_start3A_99] : memref<64x128xf32, #tpu.memory_space<vmem_shared>> -> memref<4x128xf32, #tpu.memory_space<vmem_shared>>
      %dma_start3A_101 = arith.constant 0 : i32
      %dma_start3A_102 = tpu.memref_slice %arg4[%mul3A_2, %dma_start3A_101] : memref<64x128xf32, #tpu.memory_space<hbm>> -> memref<4x128xf32, #tpu.memory_space<hbm>>
      tpu.enqueue_dma source(%dma_start3A_102 : memref<4x128xf32, #tpu.memory_space<hbm>>) target(%dma_start3A_100 : memref<4x128xf32, #tpu.memory_space<vmem_shared>>) target_semaphore(%run_scoped3A : memref<!tpu.dma_semaphore, #tpu.memory_space<semaphore_mem>>)
      %dma_wait3A_103 = arith.constant 0 : i32
      %dma_wait3A_104 = tpu.memref_slice %arg10[%mul3A_4, %dma_wait3A_103] : memref<64x128xf32, #tpu.memory_space<vmem_shared>> -> memref<4x128xf32, #tpu.memory_space<vmem_shared>>
      %dma_wait3A_105 = arith.constant 0 : i32
      %dma_wait3A_106 = tpu.memref_slice %arg4[%mul3A_2, %dma_wait3A_105] : memref<64x128xf32, #tpu.memory_space<hbm>> -> memref<4x128xf32, #tpu.memory_space<hbm>>
      tpu.wait_dma2 semaphore(%run_scoped3A : memref<!tpu.dma_semaphore, #tpu.memory_space<semaphore_mem>>) src(%dma_wait3A_106 : memref<4x128xf32, #tpu.memory_space<hbm>>) dst(%dma_wait3A_104 : memref<4x128xf32, #tpu.memory_space<vmem_shared>>)
      tpu.yield
    }) : () -> ()
    %dma_start3A = arith.constant 0 : i32
    %dma_start3A_5 = arith.constant 0 : i32
    %dma_start3A_6 = arith.constant 0 : i32
    %dma_start3A_7 = tpu.memref_slice %arg3[%add3A, %dma_start3A_5, %dma_start3A_6] : memref<32x4x80xi32, #tpu.memory_space<hbm>> -> memref<1x4x80xi32, #tpu.memory_space<hbm>>
    %dma_start3A_8 = tpu.memref_squeeze %dma_start3A_7 : memref<1x4x80xi32, #tpu.memory_space<hbm>> -> memref<4x80xi32, #tpu.memory_space<hbm>>
    %dma_start3A_9 = tpu.memref_slice %arg9[%dma_start3A] : memref<1x!tpu.dma_semaphore, #tpu.memory_space<semaphore_mem>> -> memref<1x!tpu.dma_semaphore, #tpu.memory_space<semaphore_mem>>
    %dma_start3A_10 = tpu.memref_squeeze %dma_start3A_9 : memref<1x!tpu.dma_semaphore, #tpu.memory_space<semaphore_mem>> -> memref<!tpu.dma_semaphore, #tpu.memory_space<semaphore_mem>>
    %dma_start3A_11 = arith.constant 0 : i32
    %dma_start3A_12 = arith.constant 0 : i32
    %dma_start3A_13 = tpu.memref_slice %arg3[%add3A, %dma_start3A_11, %dma_start3A_12] : memref<32x4x80xi32, #tpu.memory_space<hbm>> -> memref<1x4x80xi32, #tpu.memory_space<hbm>>
    %dma_start3A_14 = tpu.memref_squeeze %dma_start3A_13 : memref<1x4x80xi32, #tpu.memory_space<hbm>> -> memref<4x80xi32, #tpu.memory_space<hbm>>
    tpu.enqueue_dma source(%dma_start3A_14 : memref<4x80xi32, #tpu.memory_space<hbm>>) target(%arg7 : memref<4x80xi32, #tpu.memory_space<vmem>>) target_semaphore(%dma_start3A_10 : memref<!tpu.dma_semaphore, #tpu.memory_space<semaphore_mem>>)
    %mul3A_15 = arith.constant 4 : i32
    %mul3A_16 = arith.muli %add3A, %mul3A_15 : i32
    %add3A_17 = arith.constant 0 : i32
    %add3A_18 = arith.addi %mul3A_16, %add3A_17 : i32
    %lt3A = arith.constant 125 : i32
    %lt3A_19 = arith.cmpi slt, %add3A_18, %lt3A : i32
    %convert_element_type3A = arith.extui %lt3A_19 : i1 to i32
    %cond3A = arith.constant 0 : i32
    %cond3A_20 = arith.cmpi ne, %convert_element_type3A, %cond3A : i32
    scf.if %cond3A_20 {
      %mul3A_99 = arith.constant 80 : i32
      %mul3A_100 = arith.muli %add3A_18, %mul3A_99 : i32
      %dma_start3A_101 = arith.constant 0 : i32
      %dma_start3A_102 = arith.constant 0 : i32
      %dma_start3A_103 = arith.constant 0 : i32
      %dma_start3A_104 = arith.constant 0 : i32
      %dma_start3A_105 = tpu.memref_slice %arg6[%dma_start3A_101, %dma_start3A_103, %dma_start3A_104] : memref<4x80x128xf32, #tpu.memory_space<vmem>> -> memref<1x80x128xf32, #tpu.memory_space<vmem>>
      %dma_start3A_106 = tpu.memref_squeeze %dma_start3A_105 : memref<1x80x128xf32, #tpu.memory_space<vmem>> -> memref<80x128xf32, #tpu.memory_space<vmem>>
      %dma_start3A_107 = arith.constant 0 : i32
      %dma_start3A_108 = tpu.memref_slice %arg2[%mul3A_100, %dma_start3A_107] : memref<10000x128xf32, #tpu.memory_space<hbm>> -> memref<80x128xf32, #tpu.memory_space<hbm>>
      %dma_start3A_109 = tpu.memref_slice %arg8[%dma_start3A_102] : memref<4x!tpu.dma_semaphore, #tpu.memory_space<semaphore_mem>> -> memref<1x!tpu.dma_semaphore, #tpu.memory_space<semaphore_mem>>
      %dma_start3A_110 = tpu.memref_squeeze %dma_start3A_109 : memref<1x!tpu.dma_semaphore, #tpu.memory_space<semaphore_mem>> -> memref<!tpu.dma_semaphore, #tpu.memory_space<semaphore_mem>>
      %dma_start3A_111 = arith.constant 0 : i32
      %dma_start3A_112 = arith.constant 0 : i32
      %dma_start3A_113 = tpu.memref_slice %arg6[%dma_start3A_101, %dma_start3A_111, %dma_start3A_112] : memref<4x80x128xf32, #tpu.memory_space<vmem>> -> memref<1x80x128xf32, #tpu.memory_space<vmem>>
      %dma_start3A_114 = tpu.memref_squeeze %dma_start3A_113 : memref<1x80x128xf32, #tpu.memory_space<vmem>> -> memref<80x128xf32, #tpu.memory_space<vmem>>
      %dma_start3A_115 = arith.constant 0 : i32
      %dma_start3A_116 = tpu.memref_slice %arg2[%mul3A_100, %dma_start3A_115] : memref<10000x128xf32, #tpu.memory_space<hbm>> -> memref<80x128xf32, #tpu.memory_space<hbm>>
      tpu.enqueue_dma source(%dma_start3A_116 : memref<80x128xf32, #tpu.memory_space<hbm>>) target(%dma_start3A_114 : memref<80x128xf32, #tpu.memory_space<vmem>>) target_semaphore(%dma_start3A_110 : memref<!tpu.dma_semaphore, #tpu.memory_space<semaphore_mem>>)
    } else {
    }
    %mul3A_21 = arith.constant 4 : i32
    %mul3A_22 = arith.muli %add3A, %mul3A_21 : i32
    %add3A_23 = arith.constant 1 : i32
    %add3A_24 = arith.addi %mul3A_22, %add3A_23 : i32
    %lt3A_25 = arith.constant 125 : i32
    %lt3A_26 = arith.cmpi slt, %add3A_24, %lt3A_25 : i32
    %convert_element_type3A_27 = arith.extui %lt3A_26 : i1 to i32
    %cond3A_28 = arith.constant 0 : i32
    %cond3A_29 = arith.cmpi ne, %convert_element_type3A_27, %cond3A_28 : i32
    scf.if %cond3A_29 {
      %mul3A_99 = arith.constant 80 : i32
      %mul3A_100 = arith.muli %add3A_24, %mul3A_99 : i32
      %dma_start3A_101 = arith.constant 1 : i32
      %dma_start3A_102 = arith.constant 1 : i32
      %dma_start3A_103 = arith.constant 0 : i32
      %dma_start3A_104 = arith.constant 0 : i32
      %dma_start3A_105 = tpu.memref_slice %arg6[%dma_start3A_101, %dma_start3A_103, %dma_start3A_104] : memref<4x80x128xf32, #tpu.memory_space<vmem>> -> memref<1x80x128xf32, #tpu.memory_space<vmem>>
      %dma_start3A_106 = tpu.memref_squeeze %dma_start3A_105 : memref<1x80x128xf32, #tpu.memory_space<vmem>> -> memref<80x128xf32, #tpu.memory_space<vmem>>
      %dma_start3A_107 = arith.constant 0 : i32
      %dma_start3A_108 = tpu.memref_slice %arg2[%mul3A_100, %dma_start3A_107] : memref<10000x128xf32, #tpu.memory_space<hbm>> -> memref<80x128xf32, #tpu.memory_space<hbm>>
      %dma_start3A_109 = tpu.memref_slice %arg8[%dma_start3A_102] : memref<4x!tpu.dma_semaphore, #tpu.memory_space<semaphore_mem>> -> memref<1x!tpu.dma_semaphore, #tpu.memory_space<semaphore_mem>>
      %dma_start3A_110 = tpu.memref_squeeze %dma_start3A_109 : memref<1x!tpu.dma_semaphore, #tpu.memory_space<semaphore_mem>> -> memref<!tpu.dma_semaphore, #tpu.memory_space<semaphore_mem>>
      %dma_start3A_111 = arith.constant 0 : i32
      %dma_start3A_112 = arith.constant 0 : i32
      %dma_start3A_113 = tpu.memref_slice %arg6[%dma_start3A_101, %dma_start3A_111, %dma_start3A_112] : memref<4x80x128xf32, #tpu.memory_space<vmem>> -> memref<1x80x128xf32, #tpu.memory_space<vmem>>
      %dma_start3A_114 = tpu.memref_squeeze %dma_start3A_113 : memref<1x80x128xf32, #tpu.memory_space<vmem>> -> memref<80x128xf32, #tpu.memory_space<vmem>>
      %dma_start3A_115 = arith.constant 0 : i32
      %dma_start3A_116 = tpu.memref_slice %arg2[%mul3A_100, %dma_start3A_115] : memref<10000x128xf32, #tpu.memory_space<hbm>> -> memref<80x128xf32, #tpu.memory_space<hbm>>
      tpu.enqueue_dma source(%dma_start3A_116 : memref<80x128xf32, #tpu.memory_space<hbm>>) target(%dma_start3A_114 : memref<80x128xf32, #tpu.memory_space<vmem>>) target_semaphore(%dma_start3A_110 : memref<!tpu.dma_semaphore, #tpu.memory_space<semaphore_mem>>)
    } else {
    }
    %mul3A_30 = arith.constant 4 : i32
    %mul3A_31 = arith.muli %add3A, %mul3A_30 : i32
    %add3A_32 = arith.constant 2 : i32
    %add3A_33 = arith.addi %mul3A_31, %add3A_32 : i32
    %lt3A_34 = arith.constant 125 : i32
    %lt3A_35 = arith.cmpi slt, %add3A_33, %lt3A_34 : i32
    %convert_element_type3A_36 = arith.extui %lt3A_35 : i1 to i32
    %cond3A_37 = arith.constant 0 : i32
    %cond3A_38 = arith.cmpi ne, %convert_element_type3A_36, %cond3A_37 : i32
    scf.if %cond3A_38 {
      %mul3A_99 = arith.constant 80 : i32
      %mul3A_100 = arith.muli %add3A_33, %mul3A_99 : i32
      %dma_start3A_101 = arith.constant 2 : i32
      %dma_start3A_102 = arith.constant 2 : i32
      %dma_start3A_103 = arith.constant 0 : i32
      %dma_start3A_104 = arith.constant 0 : i32
      %dma_start3A_105 = tpu.memref_slice %arg6[%dma_start3A_101, %dma_start3A_103, %dma_start3A_104] : memref<4x80x128xf32, #tpu.memory_space<vmem>> -> memref<1x80x128xf32, #tpu.memory_space<vmem>>
      %dma_start3A_106 = tpu.memref_squeeze %dma_start3A_105 : memref<1x80x128xf32, #tpu.memory_space<vmem>> -> memref<80x128xf32, #tpu.memory_space<vmem>>
      %dma_start3A_107 = arith.constant 0 : i32
      %dma_start3A_108 = tpu.memref_slice %arg2[%mul3A_100, %dma_start3A_107] : memref<10000x128xf32, #tpu.memory_space<hbm>> -> memref<80x128xf32, #tpu.memory_space<hbm>>
      %dma_start3A_109 = tpu.memref_slice %arg8[%dma_start3A_102] : memref<4x!tpu.dma_semaphore, #tpu.memory_space<semaphore_mem>> -> memref<1x!tpu.dma_semaphore, #tpu.memory_space<semaphore_mem>>
      %dma_start3A_110 = tpu.memref_squeeze %dma_start3A_109 : memref<1x!tpu.dma_semaphore, #tpu.memory_space<semaphore_mem>> -> memref<!tpu.dma_semaphore, #tpu.memory_space<semaphore_mem>>
      %dma_start3A_111 = arith.constant 0 : i32
      %dma_start3A_112 = arith.constant 0 : i32
      %dma_start3A_113 = tpu.memref_slice %arg6[%dma_start3A_101, %dma_start3A_111, %dma_start3A_112] : memref<4x80x128xf32, #tpu.memory_space<vmem>> -> memref<1x80x128xf32, #tpu.memory_space<vmem>>
      %dma_start3A_114 = tpu.memref_squeeze %dma_start3A_113 : memref<1x80x128xf32, #tpu.memory_space<vmem>> -> memref<80x128xf32, #tpu.memory_space<vmem>>
      %dma_start3A_115 = arith.constant 0 : i32
      %dma_start3A_116 = tpu.memref_slice %arg2[%mul3A_100, %dma_start3A_115] : memref<10000x128xf32, #tpu.memory_space<hbm>> -> memref<80x128xf32, #tpu.memory_space<hbm>>
      tpu.enqueue_dma source(%dma_start3A_116 : memref<80x128xf32, #tpu.memory_space<hbm>>) target(%dma_start3A_114 : memref<80x128xf32, #tpu.memory_space<vmem>>) target_semaphore(%dma_start3A_110 : memref<!tpu.dma_semaphore, #tpu.memory_space<semaphore_mem>>)
    } else {
    }
    %mul3A_39 = arith.constant 4 : i32
    %mul3A_40 = arith.muli %add3A, %mul3A_39 : i32
    %add3A_41 = arith.constant 3 : i32
    %add3A_42 = arith.addi %mul3A_40, %add3A_41 : i32
    %lt3A_43 = arith.constant 125 : i32
    %lt3A_44 = arith.cmpi slt, %add3A_42, %lt3A_43 : i32
    %convert_element_type3A_45 = arith.extui %lt3A_44 : i1 to i32
    %cond3A_46 = arith.constant 0 : i32
    %cond3A_47 = arith.cmpi ne, %convert_element_type3A_45, %cond3A_46 : i32
    scf.if %cond3A_47 {
      %mul3A_99 = arith.constant 80 : i32
      %mul3A_100 = arith.muli %add3A_42, %mul3A_99 : i32
      %dma_start3A_101 = arith.constant 3 : i32
      %dma_start3A_102 = arith.constant 3 : i32
      %dma_start3A_103 = arith.constant 0 : i32
      %dma_start3A_104 = arith.constant 0 : i32
      %dma_start3A_105 = tpu.memref_slice %arg6[%dma_start3A_101, %dma_start3A_103, %dma_start3A_104] : memref<4x80x128xf32, #tpu.memory_space<vmem>> -> memref<1x80x128xf32, #tpu.memory_space<vmem>>
      %dma_start3A_106 = tpu.memref_squeeze %dma_start3A_105 : memref<1x80x128xf32, #tpu.memory_space<vmem>> -> memref<80x128xf32, #tpu.memory_space<vmem>>
      %dma_start3A_107 = arith.constant 0 : i32
      %dma_start3A_108 = tpu.memref_slice %arg2[%mul3A_100, %dma_start3A_107] : memref<10000x128xf32, #tpu.memory_space<hbm>> -> memref<80x128xf32, #tpu.memory_space<hbm>>
      %dma_start3A_109 = tpu.memref_slice %arg8[%dma_start3A_102] : memref<4x!tpu.dma_semaphore, #tpu.memory_space<semaphore_mem>> -> memref<1x!tpu.dma_semaphore, #tpu.memory_space<semaphore_mem>>
      %dma_start3A_110 = tpu.memref_squeeze %dma_start3A_109 : memref<1x!tpu.dma_semaphore, #tpu.memory_space<semaphore_mem>> -> memref<!tpu.dma_semaphore, #tpu.memory_space<semaphore_mem>>
      %dma_start3A_111 = arith.constant 0 : i32
      %dma_start3A_112 = arith.constant 0 : i32
      %dma_start3A_113 = tpu.memref_slice %arg6[%dma_start3A_101, %dma_start3A_111, %dma_start3A_112] : memref<4x80x128xf32, #tpu.memory_space<vmem>> -> memref<1x80x128xf32, #tpu.memory_space<vmem>>
      %dma_start3A_114 = tpu.memref_squeeze %dma_start3A_113 : memref<1x80x128xf32, #tpu.memory_space<vmem>> -> memref<80x128xf32, #tpu.memory_space<vmem>>
      %dma_start3A_115 = arith.constant 0 : i32
      %dma_start3A_116 = tpu.memref_slice %arg2[%mul3A_100, %dma_start3A_115] : memref<10000x128xf32, #tpu.memory_space<hbm>> -> memref<80x128xf32, #tpu.memory_space<hbm>>
      tpu.enqueue_dma source(%dma_start3A_116 : memref<80x128xf32, #tpu.memory_space<hbm>>) target(%dma_start3A_114 : memref<80x128xf32, #tpu.memory_space<vmem>>) target_semaphore(%dma_start3A_110 : memref<!tpu.dma_semaphore, #tpu.memory_space<semaphore_mem>>)
    } else {
    }
    %barrier3A = arith.constant 0 : index
    tpu.barrier barrier_id(%barrier3A)
    %dma_wait3A = arith.constant 0 : i32
    %dma_wait3A_48 = arith.constant 0 : i32
    %dma_wait3A_49 = arith.constant 0 : i32
    %dma_wait3A_50 = tpu.memref_slice %arg3[%add3A, %dma_wait3A_48, %dma_wait3A_49] : memref<32x4x80xi32, #tpu.memory_space<hbm>> -> memref<1x4x80xi32, #tpu.memory_space<hbm>>
    %dma_wait3A_51 = tpu.memref_squeeze %dma_wait3A_50 : memref<1x4x80xi32, #tpu.memory_space<hbm>> -> memref<4x80xi32, #tpu.memory_space<hbm>>
    %dma_wait3A_52 = tpu.memref_slice %arg9[%dma_wait3A] : memref<1x!tpu.dma_semaphore, #tpu.memory_space<semaphore_mem>> -> memref<1x!tpu.dma_semaphore, #tpu.memory_space<semaphore_mem>>
    %dma_wait3A_53 = tpu.memref_squeeze %dma_wait3A_52 : memref<1x!tpu.dma_semaphore, #tpu.memory_space<semaphore_mem>> -> memref<!tpu.dma_semaphore, #tpu.memory_space<semaphore_mem>>
    %dma_wait3A_54 = arith.constant 0 : i32
    %dma_wait3A_55 = arith.constant 0 : i32
    %dma_wait3A_56 = tpu.memref_slice %arg3[%add3A, %dma_wait3A_54, %dma_wait3A_55] : memref<32x4x80xi32, #tpu.memory_space<hbm>> -> memref<1x4x80xi32, #tpu.memory_space<hbm>>
    %dma_wait3A_57 = tpu.memref_squeeze %dma_wait3A_56 : memref<1x4x80xi32, #tpu.memory_space<hbm>> -> memref<4x80xi32, #tpu.memory_space<hbm>>
    tpu.wait_dma2 semaphore(%dma_wait3A_53 : memref<!tpu.dma_semaphore, #tpu.memory_space<semaphore_mem>>) src(%dma_wait3A_57 : memref<4x80xi32, #tpu.memory_space<hbm>>) dst(%arg7 : memref<4x80xi32, #tpu.memory_space<vmem>>)
    %mul3A_58 = arith.constant 4 : i32
    %mul3A_59 = arith.muli %add3A, %mul3A_58 : i32
    %add3A_60 = arith.constant 0 : i32
    %add3A_61 = arith.addi %mul3A_59, %add3A_60 : i32
    %lt3A_62 = arith.constant 125 : i32
    %lt3A_63 = arith.cmpi slt, %add3A_61, %lt3A_62 : i32
    %convert_element_type3A_64 = arith.extui %lt3A_63 : i1 to i32
    %cond3A_65 = arith.constant 0 : i32
    %cond3A_66 = arith.cmpi ne, %convert_element_type3A_64, %cond3A_65 : i32
    scf.if %cond3A_66 {
      %mul3A_99 = arith.constant 80 : i32
      %mul3A_100 = arith.muli %add3A_61, %mul3A_99 : i32
      %dma_wait3A_101 = arith.constant 0 : i32
      %dma_wait3A_102 = arith.constant 0 : i32
      %dma_wait3A_103 = arith.constant 0 : i32
      %dma_wait3A_104 = arith.constant 0 : i32
      %dma_wait3A_105 = tpu.memref_slice %arg6[%dma_wait3A_101, %dma_wait3A_103, %dma_wait3A_104] : memref<4x80x128xf32, #tpu.memory_space<vmem>> -> memref<1x80x128xf32, #tpu.memory_space<vmem>>
      %dma_wait3A_106 = tpu.memref_squeeze %dma_wait3A_105 : memref<1x80x128xf32, #tpu.memory_space<vmem>> -> memref<80x128xf32, #tpu.memory_space<vmem>>
      %dma_wait3A_107 = arith.constant 0 : i32
      %dma_wait3A_108 = tpu.memref_slice %arg2[%mul3A_100, %dma_wait3A_107] : memref<10000x128xf32, #tpu.memory_space<hbm>> -> memref<80x128xf32, #tpu.memory_space<hbm>>
      %dma_wait3A_109 = tpu.memref_slice %arg8[%dma_wait3A_102] : memref<4x!tpu.dma_semaphore, #tpu.memory_space<semaphore_mem>> -> memref<1x!tpu.dma_semaphore, #tpu.memory_space<semaphore_mem>>
      %dma_wait3A_110 = tpu.memref_squeeze %dma_wait3A_109 : memref<1x!tpu.dma_semaphore, #tpu.memory_space<semaphore_mem>> -> memref<!tpu.dma_semaphore, #tpu.memory_space<semaphore_mem>>
      %dma_wait3A_111 = arith.constant 0 : i32
      %dma_wait3A_112 = arith.constant 0 : i32
      %dma_wait3A_113 = tpu.memref_slice %arg6[%dma_wait3A_101, %dma_wait3A_111, %dma_wait3A_112] : memref<4x80x128xf32, #tpu.memory_space<vmem>> -> memref<1x80x128xf32, #tpu.memory_space<vmem>>
      %dma_wait3A_114 = tpu.memref_squeeze %dma_wait3A_113 : memref<1x80x128xf32, #tpu.memory_space<vmem>> -> memref<80x128xf32, #tpu.memory_space<vmem>>
      %dma_wait3A_115 = arith.constant 0 : i32
      %dma_wait3A_116 = tpu.memref_slice %arg2[%mul3A_100, %dma_wait3A_115] : memref<10000x128xf32, #tpu.memory_space<hbm>> -> memref<80x128xf32, #tpu.memory_space<hbm>>
      tpu.wait_dma2 semaphore(%dma_wait3A_110 : memref<!tpu.dma_semaphore, #tpu.memory_space<semaphore_mem>>) src(%dma_wait3A_116 : memref<80x128xf32, #tpu.memory_space<hbm>>) dst(%dma_wait3A_114 : memref<80x128xf32, #tpu.memory_space<vmem>>)
      %run_scoped3A = arith.constant 0 : i32
      %run_scoped3A_117 = arith.constant 0 : i32
      "tpu.region"() ({
        %run_scoped3A_118 = tpu.sem_alloc : memref<!tpu.dma_semaphore, #tpu.memory_space<semaphore_mem>>
        %dma_start3A_119 = arith.constant 0 : i32
        %dma_start3A_120 = arith.constant 0 : i32
        %dma_start3A_121 = tpu.memref_slice %arg6[%run_scoped3A, %dma_start3A_119, %dma_start3A_120] : memref<4x80x128xf32, #tpu.memory_space<vmem>> -> memref<1x80x128xf32, #tpu.memory_space<vmem>>
        %dma_start3A_122 = tpu.memref_squeeze %dma_start3A_121 : memref<1x80x128xf32, #tpu.memory_space<vmem>> -> memref<80x128xf32, #tpu.memory_space<vmem>>
        %dma_start3A_123 = arith.constant 0 : i32
        %dma_start3A_124 = tpu.memref_slice %arg7[%run_scoped3A_117, %dma_start3A_123] : memref<4x80xi32, #tpu.memory_space<vmem>> -> memref<1x80xi32, #tpu.memory_space<vmem>>
        %dma_start3A_125 = tpu.memref_squeeze %dma_start3A_124 : memref<1x80xi32, #tpu.memory_space<vmem>> -> memref<80xi32, #tpu.memory_space<vmem>>
        %dma_start3A_126 = arith.constant 0 : i32
        %dma_start3A_127 = arith.constant 0 : i32
        %dma_start3A_128 = tpu.memref_slice %arg10[%dma_start3A_126, %dma_start3A_127] : memref<64x128xf32, #tpu.memory_space<vmem_shared>> -> memref<64x128xf32, #tpu.memory_space<vmem_shared>>
        tpu.enqueue_indirect_dma source(%dma_start3A_122 : memref<80x128xf32, #tpu.memory_space<vmem>>) target(%dma_start3A_128 : memref<64x128xf32, #tpu.memory_space<vmem_shared>>) offsets(%dma_start3A_125 : memref<80xi32, #tpu.memory_space<vmem>>) semaphore(%run_scoped3A_118 : memref<!tpu.dma_semaphore, #tpu.memory_space<semaphore_mem>>) {add = true}
        %dma_wait3A_129 = arith.constant 0 : i32
        %dma_wait3A_130 = arith.constant 0 : i32
        %dma_wait3A_131 = tpu.memref_slice %arg6[%run_scoped3A, %dma_wait3A_129, %dma_wait3A_130] : memref<4x80x128xf32, #tpu.memory_space<vmem>> -> memref<1x80x128xf32, #tpu.memory_space<vmem>>
        %dma_wait3A_132 = tpu.memref_squeeze %dma_wait3A_131 : memref<1x80x128xf32, #tpu.memory_space<vmem>> -> memref<80x128xf32, #tpu.memory_space<vmem>>
        %dma_wait3A_133 = arith.constant 0 : i32
        %dma_wait3A_134 = tpu.memref_slice %arg7[%run_scoped3A_117, %dma_wait3A_133] : memref<4x80xi32, #tpu.memory_space<vmem>> -> memref<1x80xi32, #tpu.memory_space<vmem>>
        %dma_wait3A_135 = tpu.memref_squeeze %dma_wait3A_134 : memref<1x80xi32, #tpu.memory_space<vmem>> -> memref<80xi32, #tpu.memory_space<vmem>>
        %dma_wait3A_136 = arith.constant 0 : i32
        %dma_wait3A_137 = arith.constant 0 : i32
        %dma_wait3A_138 = tpu.memref_slice %arg10[%dma_wait3A_136, %dma_wait3A_137] : memref<64x128xf32, #tpu.memory_space<vmem_shared>> -> memref<64x128xf32, #tpu.memory_space<vmem_shared>>
        tpu.wait_indirect_dma semaphore(%run_scoped3A_118 : memref<!tpu.dma_semaphore, #tpu.memory_space<semaphore_mem>>) src(%dma_wait3A_132 : memref<80x128xf32, #tpu.memory_space<vmem>>) dst(%dma_wait3A_138 : memref<64x128xf32, #tpu.memory_space<vmem_shared>>)
        tpu.yield
      }) : () -> ()
    } else {
    }
    %mul3A_67 = arith.constant 4 : i32
    %mul3A_68 = arith.muli %add3A, %mul3A_67 : i32
    %add3A_69 = arith.constant 1 : i32
    %add3A_70 = arith.addi %mul3A_68, %add3A_69 : i32
    %lt3A_71 = arith.constant 125 : i32
    %lt3A_72 = arith.cmpi slt, %add3A_70, %lt3A_71 : i32
    %convert_element_type3A_73 = arith.extui %lt3A_72 : i1 to i32
    %cond3A_74 = arith.constant 0 : i32
    %cond3A_75 = arith.cmpi ne, %convert_element_type3A_73, %cond3A_74 : i32
    scf.if %cond3A_75 {
      %mul3A_99 = arith.constant 80 : i32
      %mul3A_100 = arith.muli %add3A_70, %mul3A_99 : i32
      %dma_wait3A_101 = arith.constant 1 : i32
      %dma_wait3A_102 = arith.constant 1 : i32
      %dma_wait3A_103 = arith.constant 0 : i32
      %dma_wait3A_104 = arith.constant 0 : i32
      %dma_wait3A_105 = tpu.memref_slice %arg6[%dma_wait3A_101, %dma_wait3A_103, %dma_wait3A_104] : memref<4x80x128xf32, #tpu.memory_space<vmem>> -> memref<1x80x128xf32, #tpu.memory_space<vmem>>
      %dma_wait3A_106 = tpu.memref_squeeze %dma_wait3A_105 : memref<1x80x128xf32, #tpu.memory_space<vmem>> -> memref<80x128xf32, #tpu.memory_space<vmem>>
      %dma_wait3A_107 = arith.constant 0 : i32
      %dma_wait3A_108 = tpu.memref_slice %arg2[%mul3A_100, %dma_wait3A_107] : memref<10000x128xf32, #tpu.memory_space<hbm>> -> memref<80x128xf32, #tpu.memory_space<hbm>>
      %dma_wait3A_109 = tpu.memref_slice %arg8[%dma_wait3A_102] : memref<4x!tpu.dma_semaphore, #tpu.memory_space<semaphore_mem>> -> memref<1x!tpu.dma_semaphore, #tpu.memory_space<semaphore_mem>>
      %dma_wait3A_110 = tpu.memref_squeeze %dma_wait3A_109 : memref<1x!tpu.dma_semaphore, #tpu.memory_space<semaphore_mem>> -> memref<!tpu.dma_semaphore, #tpu.memory_space<semaphore_mem>>
      %dma_wait3A_111 = arith.constant 0 : i32
      %dma_wait3A_112 = arith.constant 0 : i32
      %dma_wait3A_113 = tpu.memref_slice %arg6[%dma_wait3A_101, %dma_wait3A_111, %dma_wait3A_112] : memref<4x80x128xf32, #tpu.memory_space<vmem>> -> memref<1x80x128xf32, #tpu.memory_space<vmem>>
      %dma_wait3A_114 = tpu.memref_squeeze %dma_wait3A_113 : memref<1x80x128xf32, #tpu.memory_space<vmem>> -> memref<80x128xf32, #tpu.memory_space<vmem>>
      %dma_wait3A_115 = arith.constant 0 : i32
      %dma_wait3A_116 = tpu.memref_slice %arg2[%mul3A_100, %dma_wait3A_115] : memref<10000x128xf32, #tpu.memory_space<hbm>> -> memref<80x128xf32, #tpu.memory_space<hbm>>
      tpu.wait_dma2 semaphore(%dma_wait3A_110 : memref<!tpu.dma_semaphore, #tpu.memory_space<semaphore_mem>>) src(%dma_wait3A_116 : memref<80x128xf32, #tpu.memory_space<hbm>>) dst(%dma_wait3A_114 : memref<80x128xf32, #tpu.memory_space<vmem>>)
      %run_scoped3A = arith.constant 1 : i32
      %run_scoped3A_117 = arith.constant 1 : i32
      "tpu.region"() ({
        %run_scoped3A_118 = tpu.sem_alloc : memref<!tpu.dma_semaphore, #tpu.memory_space<semaphore_mem>>
        %dma_start3A_119 = arith.constant 0 : i32
        %dma_start3A_120 = arith.constant 0 : i32
        %dma_start3A_121 = tpu.memref_slice %arg6[%run_scoped3A, %dma_start3A_119, %dma_start3A_120] : memref<4x80x128xf32, #tpu.memory_space<vmem>> -> memref<1x80x128xf32, #tpu.memory_space<vmem>>
        %dma_start3A_122 = tpu.memref_squeeze %dma_start3A_121 : memref<1x80x128xf32, #tpu.memory_space<vmem>> -> memref<80x128xf32, #tpu.memory_space<vmem>>
        %dma_start3A_123 = arith.constant 0 : i32
        %dma_start3A_124 = tpu.memref_slice %arg7[%run_scoped3A_117, %dma_start3A_123] : memref<4x80xi32, #tpu.memory_space<vmem>> -> memref<1x80xi32, #tpu.memory_space<vmem>>
        %dma_start3A_125 = tpu.memref_squeeze %dma_start3A_124 : memref<1x80xi32, #tpu.memory_space<vmem>> -> memref<80xi32, #tpu.memory_space<vmem>>
        %dma_start3A_126 = arith.constant 0 : i32
        %dma_start3A_127 = arith.constant 0 : i32
        %dma_start3A_128 = tpu.memref_slice %arg10[%dma_start3A_126, %dma_start3A_127] : memref<64x128xf32, #tpu.memory_space<vmem_shared>> -> memref<64x128xf32, #tpu.memory_space<vmem_shared>>
        tpu.enqueue_indirect_dma source(%dma_start3A_122 : memref<80x128xf32, #tpu.memory_space<vmem>>) target(%dma_start3A_128 : memref<64x128xf32, #tpu.memory_space<vmem_shared>>) offsets(%dma_start3A_125 : memref<80xi32, #tpu.memory_space<vmem>>) semaphore(%run_scoped3A_118 : memref<!tpu.dma_semaphore, #tpu.memory_space<semaphore_mem>>) {add = true}
        %dma_wait3A_129 = arith.constant 0 : i32
        %dma_wait3A_130 = arith.constant 0 : i32
        %dma_wait3A_131 = tpu.memref_slice %arg6[%run_scoped3A, %dma_wait3A_129, %dma_wait3A_130] : memref<4x80x128xf32, #tpu.memory_space<vmem>> -> memref<1x80x128xf32, #tpu.memory_space<vmem>>
        %dma_wait3A_132 = tpu.memref_squeeze %dma_wait3A_131 : memref<1x80x128xf32, #tpu.memory_space<vmem>> -> memref<80x128xf32, #tpu.memory_space<vmem>>
        %dma_wait3A_133 = arith.constant 0 : i32
        %dma_wait3A_134 = tpu.memref_slice %arg7[%run_scoped3A_117, %dma_wait3A_133] : memref<4x80xi32, #tpu.memory_space<vmem>> -> memref<1x80xi32, #tpu.memory_space<vmem>>
        %dma_wait3A_135 = tpu.memref_squeeze %dma_wait3A_134 : memref<1x80xi32, #tpu.memory_space<vmem>> -> memref<80xi32, #tpu.memory_space<vmem>>
        %dma_wait3A_136 = arith.constant 0 : i32
        %dma_wait3A_137 = arith.constant 0 : i32
        %dma_wait3A_138 = tpu.memref_slice %arg10[%dma_wait3A_136, %dma_wait3A_137] : memref<64x128xf32, #tpu.memory_space<vmem_shared>> -> memref<64x128xf32, #tpu.memory_space<vmem_shared>>
        tpu.wait_indirect_dma semaphore(%run_scoped3A_118 : memref<!tpu.dma_semaphore, #tpu.memory_space<semaphore_mem>>) src(%dma_wait3A_132 : memref<80x128xf32, #tpu.memory_space<vmem>>) dst(%dma_wait3A_138 : memref<64x128xf32, #tpu.memory_space<vmem_shared>>)
        tpu.yield
      }) : () -> ()
    } else {
    }
    %mul3A_76 = arith.constant 4 : i32
    %mul3A_77 = arith.muli %add3A, %mul3A_76 : i32
    %add3A_78 = arith.constant 2 : i32
    %add3A_79 = arith.addi %mul3A_77, %add3A_78 : i32
    %lt3A_80 = arith.constant 125 : i32
    %lt3A_81 = arith.cmpi slt, %add3A_79, %lt3A_80 : i32
    %convert_element_type3A_82 = arith.extui %lt3A_81 : i1 to i32
    %cond3A_83 = arith.constant 0 : i32
    %cond3A_84 = arith.cmpi ne, %convert_element_type3A_82, %cond3A_83 : i32
    scf.if %cond3A_84 {
      %mul3A_99 = arith.constant 80 : i32
      %mul3A_100 = arith.muli %add3A_79, %mul3A_99 : i32
      %dma_wait3A_101 = arith.constant 2 : i32
      %dma_wait3A_102 = arith.constant 2 : i32
      %dma_wait3A_103 = arith.constant 0 : i32
      %dma_wait3A_104 = arith.constant 0 : i32
      %dma_wait3A_105 = tpu.memref_slice %arg6[%dma_wait3A_101, %dma_wait3A_103, %dma_wait3A_104] : memref<4x80x128xf32, #tpu.memory_space<vmem>> -> memref<1x80x128xf32, #tpu.memory_space<vmem>>
      %dma_wait3A_106 = tpu.memref_squeeze %dma_wait3A_105 : memref<1x80x128xf32, #tpu.memory_space<vmem>> -> memref<80x128xf32, #tpu.memory_space<vmem>>
      %dma_wait3A_107 = arith.constant 0 : i32
      %dma_wait3A_108 = tpu.memref_slice %arg2[%mul3A_100, %dma_wait3A_107] : memref<10000x128xf32, #tpu.memory_space<hbm>> -> memref<80x128xf32, #tpu.memory_space<hbm>>
      %dma_wait3A_109 = tpu.memref_slice %arg8[%dma_wait3A_102] : memref<4x!tpu.dma_semaphore, #tpu.memory_space<semaphore_mem>> -> memref<1x!tpu.dma_semaphore, #tpu.memory_space<semaphore_mem>>
      %dma_wait3A_110 = tpu.memref_squeeze %dma_wait3A_109 : memref<1x!tpu.dma_semaphore, #tpu.memory_space<semaphore_mem>> -> memref<!tpu.dma_semaphore, #tpu.memory_space<semaphore_mem>>
      %dma_wait3A_111 = arith.constant 0 : i32
      %dma_wait3A_112 = arith.constant 0 : i32
      %dma_wait3A_113 = tpu.memref_slice %arg6[%dma_wait3A_101, %dma_wait3A_111, %dma_wait3A_112] : memref<4x80x128xf32, #tpu.memory_space<vmem>> -> memref<1x80x128xf32, #tpu.memory_space<vmem>>
      %dma_wait3A_114 = tpu.memref_squeeze %dma_wait3A_113 : memref<1x80x128xf32, #tpu.memory_space<vmem>> -> memref<80x128xf32, #tpu.memory_space<vmem>>
      %dma_wait3A_115 = arith.constant 0 : i32
      %dma_wait3A_116 = tpu.memref_slice %arg2[%mul3A_100, %dma_wait3A_115] : memref<10000x128xf32, #tpu.memory_space<hbm>> -> memref<80x128xf32, #tpu.memory_space<hbm>>
      tpu.wait_dma2 semaphore(%dma_wait3A_110 : memref<!tpu.dma_semaphore, #tpu.memory_space<semaphore_mem>>) src(%dma_wait3A_116 : memref<80x128xf32, #tpu.memory_space<hbm>>) dst(%dma_wait3A_114 : memref<80x128xf32, #tpu.memory_space<vmem>>)
      %run_scoped3A = arith.constant 2 : i32
      %run_scoped3A_117 = arith.constant 2 : i32
      "tpu.region"() ({
        %run_scoped3A_118 = tpu.sem_alloc : memref<!tpu.dma_semaphore, #tpu.memory_space<semaphore_mem>>
        %dma_start3A_119 = arith.constant 0 : i32
        %dma_start3A_120 = arith.constant 0 : i32
        %dma_start3A_121 = tpu.memref_slice %arg6[%run_scoped3A, %dma_start3A_119, %dma_start3A_120] : memref<4x80x128xf32, #tpu.memory_space<vmem>> -> memref<1x80x128xf32, #tpu.memory_space<vmem>>
        %dma_start3A_122 = tpu.memref_squeeze %dma_start3A_121 : memref<1x80x128xf32, #tpu.memory_space<vmem>> -> memref<80x128xf32, #tpu.memory_space<vmem>>
        %dma_start3A_123 = arith.constant 0 : i32
        %dma_start3A_124 = tpu.memref_slice %arg7[%run_scoped3A_117, %dma_start3A_123] : memref<4x80xi32, #tpu.memory_space<vmem>> -> memref<1x80xi32, #tpu.memory_space<vmem>>
        %dma_start3A_125 = tpu.memref_squeeze %dma_start3A_124 : memref<1x80xi32, #tpu.memory_space<vmem>> -> memref<80xi32, #tpu.memory_space<vmem>>
        %dma_start3A_126 = arith.constant 0 : i32
        %dma_start3A_127 = arith.constant 0 : i32
        %dma_start3A_128 = tpu.memref_slice %arg10[%dma_start3A_126, %dma_start3A_127] : memref<64x128xf32, #tpu.memory_space<vmem_shared>> -> memref<64x128xf32, #tpu.memory_space<vmem_shared>>
        tpu.enqueue_indirect_dma source(%dma_start3A_122 : memref<80x128xf32, #tpu.memory_space<vmem>>) target(%dma_start3A_128 : memref<64x128xf32, #tpu.memory_space<vmem_shared>>) offsets(%dma_start3A_125 : memref<80xi32, #tpu.memory_space<vmem>>) semaphore(%run_scoped3A_118 : memref<!tpu.dma_semaphore, #tpu.memory_space<semaphore_mem>>) {add = true}
        %dma_wait3A_129 = arith.constant 0 : i32
        %dma_wait3A_130 = arith.constant 0 : i32
        %dma_wait3A_131 = tpu.memref_slice %arg6[%run_scoped3A, %dma_wait3A_129, %dma_wait3A_130] : memref<4x80x128xf32, #tpu.memory_space<vmem>> -> memref<1x80x128xf32, #tpu.memory_space<vmem>>
        %dma_wait3A_132 = tpu.memref_squeeze %dma_wait3A_131 : memref<1x80x128xf32, #tpu.memory_space<vmem>> -> memref<80x128xf32, #tpu.memory_space<vmem>>
        %dma_wait3A_133 = arith.constant 0 : i32
        %dma_wait3A_134 = tpu.memref_slice %arg7[%run_scoped3A_117, %dma_wait3A_133] : memref<4x80xi32, #tpu.memory_space<vmem>> -> memref<1x80xi32, #tpu.memory_space<vmem>>
        %dma_wait3A_135 = tpu.memref_squeeze %dma_wait3A_134 : memref<1x80xi32, #tpu.memory_space<vmem>> -> memref<80xi32, #tpu.memory_space<vmem>>
        %dma_wait3A_136 = arith.constant 0 : i32
        %dma_wait3A_137 = arith.constant 0 : i32
        %dma_wait3A_138 = tpu.memref_slice %arg10[%dma_wait3A_136, %dma_wait3A_137] : memref<64x128xf32, #tpu.memory_space<vmem_shared>> -> memref<64x128xf32, #tpu.memory_space<vmem_shared>>
        tpu.wait_indirect_dma semaphore(%run_scoped3A_118 : memref<!tpu.dma_semaphore, #tpu.memory_space<semaphore_mem>>) src(%dma_wait3A_132 : memref<80x128xf32, #tpu.memory_space<vmem>>) dst(%dma_wait3A_138 : memref<64x128xf32, #tpu.memory_space<vmem_shared>>)
        tpu.yield
      }) : () -> ()
    } else {
    }
    %mul3A_85 = arith.constant 4 : i32
    %mul3A_86 = arith.muli %add3A, %mul3A_85 : i32
    %add3A_87 = arith.constant 3 : i32
    %add3A_88 = arith.addi %mul3A_86, %add3A_87 : i32
    %lt3A_89 = arith.constant 125 : i32
    %lt3A_90 = arith.cmpi slt, %add3A_88, %lt3A_89 : i32
    %convert_element_type3A_91 = arith.extui %lt3A_90 : i1 to i32
    %cond3A_92 = arith.constant 0 : i32
    %cond3A_93 = arith.cmpi ne, %convert_element_type3A_91, %cond3A_92 : i32
    scf.if %cond3A_93 {
      %mul3A_99 = arith.constant 80 : i32
      %mul3A_100 = arith.muli %add3A_88, %mul3A_99 : i32
      %dma_wait3A_101 = arith.constant 3 : i32
      %dma_wait3A_102 = arith.constant 3 : i32
      %dma_wait3A_103 = arith.constant 0 : i32
      %dma_wait3A_104 = arith.constant 0 : i32
      %dma_wait3A_105 = tpu.memref_slice %arg6[%dma_wait3A_101, %dma_wait3A_103, %dma_wait3A_104] : memref<4x80x128xf32, #tpu.memory_space<vmem>> -> memref<1x80x128xf32, #tpu.memory_space<vmem>>
      %dma_wait3A_106 = tpu.memref_squeeze %dma_wait3A_105 : memref<1x80x128xf32, #tpu.memory_space<vmem>> -> memref<80x128xf32, #tpu.memory_space<vmem>>
      %dma_wait3A_107 = arith.constant 0 : i32
      %dma_wait3A_108 = tpu.memref_slice %arg2[%mul3A_100, %dma_wait3A_107] : memref<10000x128xf32, #tpu.memory_space<hbm>> -> memref<80x128xf32, #tpu.memory_space<hbm>>
      %dma_wait3A_109 = tpu.memref_slice %arg8[%dma_wait3A_102] : memref<4x!tpu.dma_semaphore, #tpu.memory_space<semaphore_mem>> -> memref<1x!tpu.dma_semaphore, #tpu.memory_space<semaphore_mem>>
      %dma_wait3A_110 = tpu.memref_squeeze %dma_wait3A_109 : memref<1x!tpu.dma_semaphore, #tpu.memory_space<semaphore_mem>> -> memref<!tpu.dma_semaphore, #tpu.memory_space<semaphore_mem>>
      %dma_wait3A_111 = arith.constant 0 : i32
      %dma_wait3A_112 = arith.constant 0 : i32
      %dma_wait3A_113 = tpu.memref_slice %arg6[%dma_wait3A_101, %dma_wait3A_111, %dma_wait3A_112] : memref<4x80x128xf32, #tpu.memory_space<vmem>> -> memref<1x80x128xf32, #tpu.memory_space<vmem>>
      %dma_wait3A_114 = tpu.memref_squeeze %dma_wait3A_113 : memref<1x80x128xf32, #tpu.memory_space<vmem>> -> memref<80x128xf32, #tpu.memory_space<vmem>>
      %dma_wait3A_115 = arith.constant 0 : i32
      %dma_wait3A_116 = tpu.memref_slice %arg2[%mul3A_100, %dma_wait3A_115] : memref<10000x128xf32, #tpu.memory_space<hbm>> -> memref<80x128xf32, #tpu.memory_space<hbm>>
      tpu.wait_dma2 semaphore(%dma_wait3A_110 : memref<!tpu.dma_semaphore, #tpu.memory_space<semaphore_mem>>) src(%dma_wait3A_116 : memref<80x128xf32, #tpu.memory_space<hbm>>) dst(%dma_wait3A_114 : memref<80x128xf32, #tpu.memory_space<vmem>>)
      %run_scoped3A = arith.constant 3 : i32
      %run_scoped3A_117 = arith.constant 3 : i32
      "tpu.region"() ({
        %run_scoped3A_118 = tpu.sem_alloc : memref<!tpu.dma_semaphore, #tpu.memory_space<semaphore_mem>>
        %dma_start3A_119 = arith.constant 0 : i32
        %dma_start3A_120 = arith.constant 0 : i32
        %dma_start3A_121 = tpu.memref_slice %arg6[%run_scoped3A, %dma_start3A_119, %dma_start3A_120] : memref<4x80x128xf32, #tpu.memory_space<vmem>> -> memref<1x80x128xf32, #tpu.memory_space<vmem>>
        %dma_start3A_122 = tpu.memref_squeeze %dma_start3A_121 : memref<1x80x128xf32, #tpu.memory_space<vmem>> -> memref<80x128xf32, #tpu.memory_space<vmem>>
        %dma_start3A_123 = arith.constant 0 : i32
        %dma_start3A_124 = tpu.memref_slice %arg7[%run_scoped3A_117, %dma_start3A_123] : memref<4x80xi32, #tpu.memory_space<vmem>> -> memref<1x80xi32, #tpu.memory_space<vmem>>
        %dma_start3A_125 = tpu.memref_squeeze %dma_start3A_124 : memref<1x80xi32, #tpu.memory_space<vmem>> -> memref<80xi32, #tpu.memory_space<vmem>>
        %dma_start3A_126 = arith.constant 0 : i32
        %dma_start3A_127 = arith.constant 0 : i32
        %dma_start3A_128 = tpu.memref_slice %arg10[%dma_start3A_126, %dma_start3A_127] : memref<64x128xf32, #tpu.memory_space<vmem_shared>> -> memref<64x128xf32, #tpu.memory_space<vmem_shared>>
        tpu.enqueue_indirect_dma source(%dma_start3A_122 : memref<80x128xf32, #tpu.memory_space<vmem>>) target(%dma_start3A_128 : memref<64x128xf32, #tpu.memory_space<vmem_shared>>) offsets(%dma_start3A_125 : memref<80xi32, #tpu.memory_space<vmem>>) semaphore(%run_scoped3A_118 : memref<!tpu.dma_semaphore, #tpu.memory_space<semaphore_mem>>) {add = true}
        %dma_wait3A_129 = arith.constant 0 : i32
        %dma_wait3A_130 = arith.constant 0 : i32
        %dma_wait3A_131 = tpu.memref_slice %arg6[%run_scoped3A, %dma_wait3A_129, %dma_wait3A_130] : memref<4x80x128xf32, #tpu.memory_space<vmem>> -> memref<1x80x128xf32, #tpu.memory_space<vmem>>
        %dma_wait3A_132 = tpu.memref_squeeze %dma_wait3A_131 : memref<1x80x128xf32, #tpu.memory_space<vmem>> -> memref<80x128xf32, #tpu.memory_space<vmem>>
        %dma_wait3A_133 = arith.constant 0 : i32
        %dma_wait3A_134 = tpu.memref_slice %arg7[%run_scoped3A_117, %dma_wait3A_133] : memref<4x80xi32, #tpu.memory_space<vmem>> -> memref<1x80xi32, #tpu.memory_space<vmem>>
        %dma_wait3A_135 = tpu.memref_squeeze %dma_wait3A_134 : memref<1x80xi32, #tpu.memory_space<vmem>> -> memref<80xi32, #tpu.memory_space<vmem>>
        %dma_wait3A_136 = arith.constant 0 : i32
        %dma_wait3A_137 = arith.constant 0 : i32
        %dma_wait3A_138 = tpu.memref_slice %arg10[%dma_wait3A_136, %dma_wait3A_137] : memref<64x128xf32, #tpu.memory_space<vmem_shared>> -> memref<64x128xf32, #tpu.memory_space<vmem_shared>>
        tpu.wait_indirect_dma semaphore(%run_scoped3A_118 : memref<!tpu.dma_semaphore, #tpu.memory_space<semaphore_mem>>) src(%dma_wait3A_132 : memref<80x128xf32, #tpu.memory_space<vmem>>) dst(%dma_wait3A_138 : memref<64x128xf32, #tpu.memory_space<vmem_shared>>)
        tpu.yield
      }) : () -> ()
    } else {
    }
    %barrier3A_94 = arith.constant 0 : index
    tpu.barrier barrier_id(%barrier3A_94)
    %mul3A_95 = arith.constant 4 : i32
    %mul3A_96 = arith.muli %arg1, %mul3A_95 : i32
    %mul3A_97 = arith.constant 4 : i32
    %mul3A_98 = arith.muli %arg1, %mul3A_97 : i32
    "tpu.region"() ({
      %run_scoped3A = tpu.sem_alloc : memref<!tpu.dma_semaphore, #tpu.memory_space<semaphore_mem>>
      %dma_start3A_99 = arith.constant 0 : i32
      %dma_start3A_100 = arith.constant 0 : i32
      %dma_start3A_101 = tpu.memref_slice %arg5[%arg0, %dma_start3A_99, %dma_start3A_100] : memref<2x64x128xf32, #tpu.memory_space<hbm>> -> memref<1x64x128xf32, #tpu.memory_space<hbm>>
      %dma_start3A_102 = tpu.memref_squeeze %dma_start3A_101 : memref<1x64x128xf32, #tpu.memory_space<hbm>> -> memref<64x128xf32, #tpu.memory_space<hbm>>
      %dma_start3A_103 = arith.constant 0 : i32
      %dma_start3A_104 = tpu.memref_slice %dma_start3A_102[%mul3A_98, %dma_start3A_103] : memref<64x128xf32, #tpu.memory_space<hbm>> -> memref<4x128xf32, #tpu.memory_space<hbm>>
      %dma_start3A_105 = arith.constant 0 : i32
      %dma_start3A_106 = tpu.memref_slice %arg10[%mul3A_96, %dma_start3A_105] : memref<64x128xf32, #tpu.memory_space<vmem_shared>> -> memref<4x128xf32, #tpu.memory_space<vmem_shared>>
      tpu.enqueue_dma source(%dma_start3A_106 : memref<4x128xf32, #tpu.memory_space<vmem_shared>>) target(%dma_start3A_104 : memref<4x128xf32, #tpu.memory_space<hbm>>) target_semaphore(%run_scoped3A : memref<!tpu.dma_semaphore, #tpu.memory_space<semaphore_mem>>)
      %dma_wait3A_107 = arith.constant 0 : i32
      %dma_wait3A_108 = arith.constant 0 : i32
      %dma_wait3A_109 = tpu.memref_slice %arg5[%arg0, %dma_wait3A_107, %dma_wait3A_108] : memref<2x64x128xf32, #tpu.memory_space<hbm>> -> memref<1x64x128xf32, #tpu.memory_space<hbm>>
      %dma_wait3A_110 = tpu.memref_squeeze %dma_wait3A_109 : memref<1x64x128xf32, #tpu.memory_space<hbm>> -> memref<64x128xf32, #tpu.memory_space<hbm>>
      %dma_wait3A_111 = arith.constant 0 : i32
      %dma_wait3A_112 = tpu.memref_slice %dma_wait3A_110[%mul3A_98, %dma_wait3A_111] : memref<64x128xf32, #tpu.memory_space<hbm>> -> memref<4x128xf32, #tpu.memory_space<hbm>>
      %dma_wait3A_113 = arith.constant 0 : i32
      %dma_wait3A_114 = tpu.memref_slice %arg10[%mul3A_96, %dma_wait3A_113] : memref<64x128xf32, #tpu.memory_space<vmem_shared>> -> memref<4x128xf32, #tpu.memory_space<vmem_shared>>
      tpu.wait_dma2 semaphore(%run_scoped3A : memref<!tpu.dma_semaphore, #tpu.memory_space<semaphore_mem>>) src(%dma_wait3A_114 : memref<4x128xf32, #tpu.memory_space<vmem_shared>>) dst(%dma_wait3A_112 : memref<4x128xf32, #tpu.memory_space<hbm>>)
      tpu.yield
    }) : () -> ()
    return
  }
}

module attributes {stable_mosaic.version = 14 : i64} {
  func.func @_tc_counts_body(%arg0: memref<1x10000xi32, #tpu.memory_space<vmem>>, %arg1: memref<64x1xf32, #tpu.memory_space<vmem>>) attributes {dimension_semantics = [], scalar_prefetch = 0 : i64, scratch_operands = 0 : i64, tpu.core_type = #tpu.core_type<tc>} {
    %get3A = arith.constant 0 : index
    %get3A_0 = arith.constant 0 : index
    %get3A_1 = vector.load %arg0[%get3A, %get3A_0] : memref<1x10000xi32, #tpu.memory_space<vmem>>, vector<1x10000xi32>
    %get3A_2 = vector.shape_cast %get3A_1 : vector<1x10000xi32> to vector<10000xi32>
    %iota3A = tpu.iota {dimensions = array<i32: 0>} : vector<64x10000xi32>
    %broadcast_in_dim3A = vector.shape_cast %get3A_2 : vector<10000xi32> to vector<1x10000xi32>
    %eq3A = vector.broadcast %broadcast_in_dim3A : vector<1x10000xi32> to vector<64x10000xi32>
    %eq3A_3 = arith.cmpi eq, %eq3A, %iota3A : vector<64x10000xi32>
    %convert_element_type3A = arith.extui %eq3A_3 : vector<64x10000xi1> to vector<64x10000xi32>
    %convert_element_type3A_4 = arith.sitofp %convert_element_type3A : vector<64x10000xi32> to vector<64x10000xf32>
    %reduce_sum3A = arith.constant dense<0.000000e+00> : vector<64xf32>
    %reduce_sum3A_5 = vector.multi_reduction <add>, %convert_element_type3A_4, %reduce_sum3A [1] : vector<64x10000xf32> to vector<64xf32>
    %broadcast_in_dim3A_6 = vector.shape_cast %reduce_sum3A_5 : vector<64xf32> to vector<64x1xf32>
    %max3A = arith.constant 1.000000e+00 : f32
    %max3A_7 = vector.broadcast %max3A : f32 to vector<64x1xf32>
    %max3A_8 = arith.maximumf %broadcast_in_dim3A_6, %max3A_7 : vector<64x1xf32>
    %div3A = arith.constant 1.000000e+00 : f32
    %div3A_9 = vector.broadcast %div3A : f32 to vector<64x1xf32>
    %div3A_10 = arith.divf %div3A_9, %max3A_8 : vector<64x1xf32>
    %swap3A = arith.constant 0 : index
    %swap3A_11 = arith.constant 0 : index
    %swap3A_12 = vector.load %arg1[%swap3A, %swap3A_11] : memref<64x1xf32, #tpu.memory_space<vmem>>, vector<64x1xf32>
    tpu.vector_store %arg1[%swap3A, %swap3A_11], %div3A_10 {strides = array<i32>} : memref<64x1xf32, #tpu.memory_space<vmem>>, vector<64x1xf32>,
    return
  }
}

module attributes {stable_mosaic.version = 14 : i64} {
  func.func @_tc_mlp_body(%arg0: memref<2x64x128xf32, #tpu.memory_space<vmem>>, %arg1: memref<64x1xf32, #tpu.memory_space<vmem>>, %arg2: memref<128x8xf32, #tpu.memory_space<vmem>>, %arg3: memref<1x8xf32, #tpu.memory_space<vmem>>, %arg4: memref<8x10xf32, #tpu.memory_space<vmem>>, %arg5: memref<1x10xf32, #tpu.memory_space<vmem>>, %arg6: memref<64x10xf32, #tpu.memory_space<vmem>>) attributes {dimension_semantics = [], scalar_prefetch = 0 : i64, scratch_operands = 0 : i64, tpu.core_type = #tpu.core_type<tc>} {
    %get3A = arith.constant 0 : index
    %get3A_0 = arith.constant 0 : index
    %get3A_1 = arith.constant 0 : index
    %get3A_2 = vector.load %arg0[%get3A, %get3A_0, %get3A_1] : memref<2x64x128xf32, #tpu.memory_space<vmem>>, vector<1x64x128xf32>
    %get3A_3 = vector.shape_cast %get3A_2 : vector<1x64x128xf32> to vector<64x128xf32>
    %get3A_4 = arith.constant 1 : index
    %get3A_5 = arith.constant 0 : index
    %get3A_6 = arith.constant 0 : index
    %get3A_7 = vector.load %arg0[%get3A_4, %get3A_5, %get3A_6] : memref<2x64x128xf32, #tpu.memory_space<vmem>>, vector<1x64x128xf32>
    %get3A_8 = vector.shape_cast %get3A_7 : vector<1x64x128xf32> to vector<64x128xf32>
    %add3A = arith.addf %get3A_3, %get3A_8 : vector<64x128xf32>
    %get3A_9 = arith.constant 0 : index
    %get3A_10 = arith.constant 0 : index
    %get3A_11 = vector.load %arg1[%get3A_9, %get3A_10] : memref<64x1xf32, #tpu.memory_space<vmem>>, vector<64x1xf32>
    %mul3A = vector.broadcast %get3A_11 : vector<64x1xf32> to vector<64x128xf32>
    %mul3A_12 = arith.mulf %add3A, %mul3A : vector<64x128xf32>
    %get3A_13 = arith.constant 0 : index
    %get3A_14 = arith.constant 0 : index
    %get3A_15 = vector.load %arg2[%get3A_13, %get3A_14] : memref<128x8xf32, #tpu.memory_space<vmem>>, vector<128x8xf32>
    %dot_general3A = arith.constant dense<0.000000e+00> : vector<64x8xf32>
    %dot_general3A_16 = tpu.matmul %mul3A_12, %get3A_15, %dot_general3A {dimension_numbers = #tpu.dot_dimension_numbers<[1], [0], [0], [1], [0, 0, 1, 1], [], []>, transpose_lhs_hint = false} : vector<64x128xf32>, vector<128x8xf32>, vector<64x8xf32> -> vector<64x8xf32>
    %get3A_17 = arith.constant 0 : index
    %get3A_18 = arith.constant 0 : index
    %get3A_19 = vector.load %arg3[%get3A_17, %get3A_18] : memref<1x8xf32, #tpu.memory_space<vmem>>, vector<1x8xf32>
    %add3A_20 = vector.broadcast %get3A_19 : vector<1x8xf32> to vector<64x8xf32>
    %add3A_21 = arith.addf %dot_general3A_16, %add3A_20 : vector<64x8xf32>
    %max3A = arith.constant 0.000000e+00 : f32
    %max3A_22 = vector.broadcast %max3A : f32 to vector<64x8xf32>
    %max3A_23 = arith.maximumf %add3A_21, %max3A_22 : vector<64x8xf32>
    %get3A_24 = arith.constant 0 : index
    %get3A_25 = arith.constant 0 : index
    %get3A_26 = vector.load %arg4[%get3A_24, %get3A_25] : memref<8x10xf32, #tpu.memory_space<vmem>>, vector<8x10xf32>
    %dot_general3A_27 = arith.constant dense<0.000000e+00> : vector<64x10xf32>
    %dot_general3A_28 = tpu.matmul %max3A_23, %get3A_26, %dot_general3A_27 {dimension_numbers = #tpu.dot_dimension_numbers<[1], [0], [0], [1], [0, 0, 1, 1], [], []>, transpose_lhs_hint = false} : vector<64x8xf32>, vector<8x10xf32>, vector<64x10xf32> -> vector<64x10xf32>
    %get3A_29 = arith.constant 0 : index
    %get3A_30 = arith.constant 0 : index
    %get3A_31 = vector.load %arg5[%get3A_29, %get3A_30] : memref<1x10xf32, #tpu.memory_space<vmem>>, vector<1x10xf32>
    %add3A_32 = vector.broadcast %get3A_31 : vector<1x10xf32> to vector<64x10xf32>
    %add3A_33 = arith.addf %dot_general3A_28, %add3A_32 : vector<64x10xf32>
    %swap3A = arith.constant 0 : index
    %swap3A_34 = arith.constant 0 : index
    %swap3A_35 = vector.load %arg6[%swap3A, %swap3A_34] : memref<64x10xf32, #tpu.memory_space<vmem>>, vector<64x10xf32>
    tpu.vector_store %arg6[%swap3A, %swap3A_34], %add3A_33 {strides = array<i32>} : memref<64x10xf32, #tpu.memory_space<vmem>>, vector<64x10xf32>,
    return
  }
}

</mosaic_0001>

<sc_bundles>
// kernel: kernel.5.cloned.1.call-start
scs
__scs_entry_jumppad:
0x0: {  	(pc) =	sbr.rel $0x88, $3  }
0x1: {  	(tag) =	ssettag $0x0;
	lr =	simm.s32 $0x1  }
0x2: {  	[smem:$0x3F9B] =	sst lr;
	_ =	strace $0xD0000000  }
0x3: {  	_ = 	snop  }
0x4: {  	_ = 	snop  }
0x5: {  	_ = 	snop  }
0x6: {  	_ = 	snop  }
0x7: {  	_ = 	snop  }
__scs_overlays_trampoline_lowered:
0x8: {  	[smem:$0x3FAA] =	sst s0  }
0x9: {  	[smem:$0x3FAB] =	sst s1  }
0xa: {  	[smem:$0x3FAC] =	sst s2  }
0xb: {  	[smem:$0x3FAD] =	sst s3  }
0xc: {  	[smem:$0x3FAE] =	sst s4  }
0xd: {  	[smem:$0x3FAF] =	sst s5  }
0xe: {  	[smem:$0x3FB0] =	sst s6  }
0xf: {  	[smem:$0x3FB1] =	sst s7  }
0x10: {  	[smem:$0x3FB2] =	sst s8  }
0x11: {  	[smem:$0x3FB3] =	sst s9;
	s0 =	simm.s32 @!p0 $0x0  }
0x12: {  	s1 =	sld [smem:$0x3F99];
	s0 =	simm.s32 @p0 $0x1  }
0x13: {  	[smem:$0x3FB4] =	sst s0;
	s0 =	simm.s32 @!p1 $0x0  }
0x14: {  	s2 =	sld [smem:$0x3F98];
	s0 =	simm.s32 @p1 $0x1  }
0x15: {  	[smem:$0x3FB5] =	sst s0;
	s0 =	simm.s32 @!p2 $0x0  }
0x16: {  	s3 =	sld [smem:$0x3FDB];
	s0 =	simm.s32 @p2 $0x1  }
0x17: {  	s4 =	simm.s32 $0x1BF5;
	[smem:$0x3FB7] =	sst s0  }
0x18: {  	s0 =	sld [smem:$0x3F9A];
	_ =	swait.ge [sflag:s4], $0x0  }
0x19: {  	s7 =	sld [smem:$0x3F9B]  }
0x1a: {  	s8 =	sadd.s32 $0xFFFFE003, lr  }
0x1b: {  	s9 =	sadd.s32 $0xFFFFFEF7, lr;
	s5 =	simm.s32 $0xFFFFFFFF;
	p2 =	slt.u32 s8, $0xFFFFF086  }
0x1c: {  	p1 =	slt.u32 s9, $0xF7A;
	s5 =	simm.s32 @!p2 $0x0  }
0x1d: {  	s5 =	simm.s32 @p1 $0x1;
	p0 =	seq.s32 s7, s2  }
0x1e: {  	s7 =	smul.u32 @!p0 $0xF7A, s2;
	p2 =	seq.s32 @!p0 s5, $0x0  }
0x1f: {  	s9 =	smul.u32 $0xF7A, s1;
	s8 =	simm.s32 @!p0 $0x1BF5;
	p2 =	por !p2, p0  }
0x20: {  	[sflag:s8] =	ssyncset.s32 @!p0 $0xFFFFF086;
	s6 =	sadd.s32 @!p0 s3, s7;
	s7 =	simm.s32 @!p0 $0x108  }
0x21: {  	s3 =	sadd.s32 s3, s9;
	s6 =	sadd.s32 @!p0 $0x88, s6;
	s7 =	simm.s32 @p2 $0x1082  }
0x22: {  	[simem:s7], [sflag:s8] =	dma.local @!p0 [hbm:s6], $0xF7A  }
0x23: {  	s9 =	sor.u32 $0xD0000000, s2;
	s6 =	simm.s32 $0x108;
	_ =	swait.ge @!p0 [sflag:s8], $0x0  }
0x24: {  	s3 =	sadd.s32 $0x88, s3;
	s6 =	simm.s32 @!p1 $0x1082;
	[sflag:s4] =	ssyncset.s32 $0xFFFFF086  }
0x25: {  	[simem:s6], [sflag:s4] =	dma.local [hbm:s3], $0xF7A  }
0x26: {  	[smem:$0x3F9B] =	sst s1;
	(tag) =	ssettag s2;
	_ =	strace s9  }
0x27: {  	s1 =	sld [smem:$0x3FAB]  }
0x28: {  	s2 =	sld [smem:$0x3FAC]  }
0x29: {  	s4 =	sld [smem:$0x3FAE]  }
0x2a: {  	p0 =	seq.s32 s5, $0x0;
	s5 =	sld [smem:$0x3FAF]  }
0x2b: {  	s6 =	sld [smem:$0x3FB0]  }
0x2c: {  	s7 =	sld [smem:$0x3FB1]  }
0x2d: {  	s3 =	simm.s32 $0x108;
	s8 =	sld [smem:$0x3FB2]  }
0x2e: {  	s3 =	simm.s32 @!p0 $0x1082;
	s9 =	sld [smem:$0x3FB3]  }
0x2f: {  	lr =	sadd.s32 s0, s3;
	s0 =	sld [smem:$0x3FAA]  }
0x30: {  	s3 =	sld [smem:$0x3FAD]  }
0x31: {  	[smem:$0x3FB6] =	sst s10  }
0x32: {  	s10 =	sld [smem:$0x3FB4];
	_ =	sdelay $0x3  }
0x33: {  	p0 =	seq.s32 s10, $0x1;
	s10 =	sld [smem:$0x3FB6];
	_ =	sdelay $0x3  }
0x34: {  	[smem:$0x3FB6] =	sst s10  }
0x35: {  	s10 =	sld [smem:$0x3FB5];
	_ =	sdelay $0x3  }
0x36: {  	p1 =	seq.s32 s10, $0x1;
	s10 =	sld [smem:$0x3FB6];
	_ =	sdelay $0x3  }
0x37: {  	[smem:$0x3FB6] =	sst s10  }
0x38: {  	s10 =	sld [smem:$0x3FB7]  }
0x39: {  	_ = 	snop;
	(pc) =	sbr.ind lr, $3  }
0x3a: {  	_ = 	snop  }
0x3b: {  	_ = 	snop  }
0x3c: {  	p2 =	seq.s32 s10, $0x1;
	s10 =	sld [smem:$0x3FB6]  }
0x3d: {  	_ =	shalt  }
0x3e: {  	_ =	shalt  }
0x3f: {  	_ =	shalt  }
0x40: {  	_ =	shalt  }
0x41: {  	_ =	shalt  }
0x42: {  	_ =	shalt  }
0x43: {  	_ =	shalt  }
0x44: {  	_ =	shalt  }
0x45: {  	_ =	shalt  }
0x46: {  	_ =	shalt  }
0x47: {  	_ =	shalt  }
0x48: {  	_ =	shalt  }
0x49: {  	_ =	shalt  }
0x4a: {  	_ =	shalt  }
0x4b: {  	_ =	shalt  }
0x4c: {  	_ =	shalt  }
0x4d: {  	_ =	shalt  }
0x4e: {  	_ =	shalt  }
0x4f: {  	_ =	shalt  }
0x50: {  	_ =	shalt  }
0x51: {  	_ =	shalt  }
0x52: {  	_ =	shalt  }
0x53: {  	_ =	shalt  }
0x54: {  	_ =	shalt  }
0x55: {  	_ =	shalt  }
0x56: {  	_ =	shalt  }
0x57: {  	_ =	shalt  }
0x58: {  	_ =	shalt  }
0x59: {  	_ =	shalt  }
0x5a: {  	_ =	shalt  }
0x5b: {  	_ =	shalt  }
0x5c: {  	_ =	shalt  }
0x5d: {  	_ =	shalt  }
0x5e: {  	_ =	shalt  }
0x5f: {  	_ =	shalt  }
0x60: {  	_ =	shalt  }
0x61: {  	_ =	shalt  }
0x62: {  	_ =	shalt  }
0x63: {  	_ =	shalt  }
0x64: {  	_ =	shalt  }
0x65: {  	_ =	shalt  }
0x66: {  	_ =	shalt  }
0x67: {  	_ =	shalt  }
0x68: {  	_ =	shalt  }
0x69: {  	_ =	shalt  }
0x6a: {  	_ =	shalt  }
0x6b: {  	_ =	shalt  }
0x6c: {  	_ =	shalt  }
0x6d: {  	_ =	shalt  }
0x6e: {  	_ =	shalt  }
0x6f: {  	_ =	shalt  }
0x70: {  	_ =	shalt  }
0x71: {  	_ =	shalt  }
0x72: {  	_ =	shalt  }
0x73: {  	_ =	shalt  }
0x74: {  	_ =	shalt  }
0x75: {  	_ =	shalt  }
0x76: {  	_ =	shalt  }
0x77: {  	_ =	shalt  }
0x78: {  	_ =	shalt  }
0x79: {  	_ =	shalt  }
0x7a: {  	_ =	shalt  }
0x7b: {  	_ =	shalt  }
0x7c: {  	_ =	shalt  }
0x7d: {  	_ =	shalt  }
0x7e: {  	_ =	shalt  }
0x7f: {  	_ =	shalt  }
0x80: {  	_ =	shalt  }
0x81: {  	_ =	shalt  }
0x82: {  	_ =	shalt  }
0x83: {  	_ =	shalt  }
0x84: {  	_ =	shalt  }
0x85: {  	_ =	shalt  }
0x86: {  	_ =	shalt  }
0x87: {  	_ =	shalt  }
.Lfunc_end0:
.L_simem_size_0:
called_computation_lowered:
.L_overlay_start_0:
0x88: {  	s2 =	sld [smem:$0x3FD9]  }
0x89: {  	s3 =	sld [smem:$0x3FFE];
	_ =	sdelay $0x1  }
0x8a: {  	s1 =	srdreg.scid  }
0x8b: {  	s0 =	sand.u32 $0x1, s1  }
0x8c: {  	s17 =	sshll.u32 s0, $0xA;
	s2 =	sadd.s32 s3, s2  }
0x8d: {  	s2 =	sadd.s32 s2, s17  }
0x8e: {  	[smem:$0x3FC2] =	sst s2  }
0x8f: {  	_ = 	snop  }
0x90: {  	s2 =	sld [smem:$0x3FC9];
	(tm) =	ssettm $0x1  }
0x91: {  	s18 =	sld [smem:$0x3FFB];
	_ =	sdelay $0x3  }
0x92: {  	_ =	strace s18  }
0x93: {  	s3 =	sld [smem:$0x3FFC];
	_ =	sdelay $0x3  }
0x94: {  	_ =	strace s3  }
0x95: {  	s3 =	sld [smem:$0x3FFD];
	_ =	sdelay $0x3  }
0x96: {  	_ =	strace s3  }
0x97: {  	_ =	strace $0x8FFFFFFF  }
0x98: {  	s19 =	sld [smem:$0x3FDB];
	_ =	sdelay $0x1  }
0x99: {  	s4 =	simm.s32 $_scs_section_size  }
0x9a: {  	s5 =	simm.s32 $_size__tile_overlayer_lowered;
	s6 =	simm.s32 $_tile_overlayer_lowered  }
0x9b: {  	s22 =	simm.s32 $0x1BFF;
	s21 =	sshll.u32 s6, $0x1;
	s3 =	sadd.s32 s4, s19  }
0x9c: {  	s7 =	simm.s32 $0x0;
	s20 =	sshll.u32 s5, $0x1;
	s5 =	sadd.s32 s21, s3  }
0x9d: {  	[timem:s7], [sflag:s22] =	dma.local [hbm:s5], s20  }
0x9e: {  	_ =	swait.ge [sflag:s22], s20  }
0x9f: {  	s4 =	ssub.s32 $0x0, s20;
	[sflag:s22] =	ssyncset.done $0x0  }
0xa0: {  	[sflag:s22] =	ssyncadd.s32 s4;
	_ =	sdelay $0x1  }
0xa1: {  	s23 =	simm.s32 $0x1B8B  }
0xa2: {  	_ =	swait.ge [sflag:s23], $0x1  }
0xa3: {  	[sflag:s23] =	ssyncset.done $0x0  }
0xa4: {  	s25 =	simm.s32 $0x1B8E;
	s24 =	sld [smem:$0x3FFE];
	[sflag:s23] =	ssyncadd.s32 $0xFFFFFFFF  }
0xa5: {  	s26 =	simm.s32 $execute0_lowered;
	[smem:$0x3FD2] =	sst s25  }
0xa6: {  	s5 =	sshll.u32 s26, $0x1;
	_ =	strace $0x80000046;
	[dreg:$0x1] =	wrdreg $0xFFFFFFFF  }
0xa7: {  	s28 =	simm.s32 $_size_execute0_lowered;
	s3 =	sadd.s32 s3, s5;
	[dreg:$0x0] =	wrdreg $0x0  }
0xa8: {  	s5 =	sshll.u32 s28, $0x1;
	[dreg:$0x2] =	wrdreg s3  }
0xa9: {  	[dreg:$0x3] =	wrdreg s5  }
0xaa: {  	[dreg:$0x4] =	wrdreg $0xC0  }
0xab: {  	_ =	task [dreg:s7], $0x5FFFF  }
0xac: {  	[dreg:$0x1] =	wrdreg $0xFFFFFFFF  }
0xad: {  	[dreg:$0x0] =	wrdreg $0x60  }
0xae: {  	[dreg:$0x2] =	wrdreg s2  }
0xaf: {  	[dreg:$0x3] =	wrdreg s24  }
0xb0: {  	[dreg:$0x4] =	wrdreg $0xA2000  }
0xb1: {  	[dreg:$0x5] =	wrdreg $0x9  }
0xb2: {  	_ =	task.clear_ibuf [dreg:s7], $0x6FFFF;
	_ =	strace $0x90000046  }
0xb3: {  	s29 =	simm.s32 $0x9;
	_ =	strace $0x80000048  }
0xb4: {  	_ =	swait.ge [sflag:s29], $0x1  }
0xb5: {  	[sflag:s29] =	ssyncadd.s32 $0xFFFFFFFF  }
0xb6: {  	_ =	strace $0x90000048  }
0xb7: {  	_ =	sfence  }
0xb8: {  	s30 =	sld [smem:$0x0];
	_ =	sdelay $0x2  }
0xb9: {  	s31 =	sshll.u32 s1, $0xD;
	s1 =	sshrl.u32 s1, $0x2  }
0xba: {  	s3 =	sand.u32 $0x4000, s31;
	s1 =	sadd.s32 s1, s30  }
0xbb: {  	s0 =	sor.u32 s3, s0;
	s1 =	sshll.u32 s1, $0x11  }
0xbc: {  	s0 =	sor.u32 s1, s0  }
0xbd: {  	s0 =	sadd.s32 $0x8F2B, s0  }
0xbe: {  	[sflag:s0] =	ssyncadd.remote.s32 $0x1  }
0xbf: {  	_ =	sfence.sel $0xFFFF  }
0xc0: {  	[dreg:$0x0] =	wrdreg $0xFFFFFFFF;
	(pc) =	sbr.abs _section_cstart, $3  }
0xc1: {  	[dreg:$0x1] =	wrdreg $0xFFFFFFFF  }
0xc2: {  	_ =	task.clear_ibuf [dreg:s7], $0x2FFFF;
	_ =	strace $0x9FFFFFFF  }
0xc3: {  	(tm) =	ssettm $0x7FFFFFFF  }
tec
execute0_lowered:
.L_overlay_start_1:
0x0: {  	(tag) =	ssettag $0x1  }
0x1: {  	s0 =	rddreg [dreg:$0x0]  }
0x2: {  	s3 =	rddreg [dreg:$0x1]  }
0x3: {  	s1 =	srdreg.scid;
	s2 =	rddreg [dreg:$0x2]  }
0x4: {  	s19 =	stileid.u32;
	s17 =	rddreg [dreg:$0x3];
	s6 =	simm.s32 $0x0  }
0x5: {  	s20 =	simm.s32 $0x50;
	p3 =	por $0x0, $0x0;
	s1 =	sand.u32 $0x1, s1  }
0x6: {  	[smem:$0x7FF] =	sst s6;
	s14 =	sshll.u32 s19, $0x6;
	s24 =	sshll.u32 s19, $0x9  }
0x7: {  	s4 =	sshll.u32 s1, $0x4;
	_ =	strace $0x80000047;
	s7 =	ssub.s32 $0x2, s1  }
0x8: {  	s1 =	sshll.u32 s1, $0xA;
	s9 =	sadd.s32 s14, s3;
	s15 =	sadd.s32 s24, s2  }
0x9: {  	s4 =	sor.u32 s19, s4;
	s8 =	sshrl.u32 s7, $0x1;
	s1 =	sadd.s32 s1, s3  }
0xa: {  	s25 =	sadd.s32 $0x1800, s9;
	s5 =	sshll.u32 s4, $0x6;
	s7 =	ssub.s32 s7, s8  }
0xb: {  	s26 =	sshll.u32 s4, $0x2;
	[dreg:$0x4] =	wrdreg s25;
	s28 =	smul.u32 $0x1400, s4  }
0xc: {  	s16 =	sshllo.u32 s4, $0x2;
	s30 =	sadd.s32 $0x1C00, s1;
	p2 =	seq.s32 s4, $0x1F  }
0xd: {  	s4 =	simm.s32 $0x6;
	s8 =	simm.s32 $0xA000;
	s31 =	smax.u32 s7, $0x1  }
0xe: {  	s29 =	smul.u32 $0x500, s16;
	p0 =	sgt.u32 s16, $0x7C;
	s16 =	sadd.s32 $0xFFFFFFFF, s31  }
0xf: {  	s5 =	sadd.s32 s5, s3;
	s13 =	sor.u32 $0x2, s26;
	p4 =	sne.s32 s16, $0x0  }
.Ltmp0:
0x10: {  	s3 =	sor.u32 $0x1C06, s14;
	s7 =	sadd.s32 s14, s30;
	(pc) =	sbr.rel @!p4 .LBB2_5-.Ltmp0, $4  }
0x11: {  	s18 =	rddreg [dreg:$0x4];
	s9 =	smul.u32 $0x500, s13;
	s5 =	sadd.s32 $0x1000, s5  }
0x12: {  	s11 =	sadd.s32 s0, s28;
	p1 =	sgt.u32 s13, $0x7C;
	s13 =	simm.s32 $0x1  }
0x13: {  	[dreg:$0x5] =	wrdreg s5;
	s12 =	sadd.s32 $0x500, s11;
	s5 =	sshrl.u32 s15, $0x3  }
0x14: {  	s15 =	simm.s32 $0x5;
	s10 =	sadd.s32 s0, s9;
	s9 =	sadd.s32 s0, s29  }
0x15: {  	[spmem:s5], [sflag:s3] =	dma.local [hbm:s18], $0x40  }
0x16: {  	_ =	swait.ge [sflag:s4], $0x40  }
0x17: {  	[sflag:s4] =	ssyncset.done $0x0  }
0x18: {  	s0 =	rddreg [dreg:$0x5];
	[sflag:s4] =	ssyncadd.s32 $0xFFFFFFC0  }
0x19: {  	[tilespmem:s8], [sflag:$0x5] =	stream.linear.gather [hbm4b:s0+s6], $0x200, $0x38;
	[tilespmem:$0xA400] =	vst v63  }
0x1a: {  	_ = 	snop  }
0x1b: {  	[tilespmem:s6], [sflag:$0x1] =	stream.linear.gather [hbm4b:s11+s6], $0x2800, $0x38;
	[tilespmem:$0xA400] =	vst v63  }
0x1c: {  	s17 =	simm.s32 @!p2 $0x2800;
	s0 =	simm.s32 @!p2 $0x0  }
0x1d: {  	[tilespmem:s17], [sflag:$0x2] =	stream.linear.gather @!p2 [hbm4b:s12+s0], $0x2800, $0x38;
	[tilespmem:$0xA400] =	vst v63  }
0x1e: {  	s19 =	simm.s32 @!p1 $0x5000;
	s0 =	simm.s32 @!p1 $0x0  }
0x1f: {  	[tilespmem:s19], [sflag:$0x3] =	stream.linear.gather @!p1 [hbm4b:s10+s0], $0x2800, $0x38;
	[tilespmem:$0xA400] =	vst v63  }
0x20: {  	s21 =	simm.s32 @!p0 $0x7800;
	s0 =	simm.s32 @!p0 $0x0  }
0x21: {  	[tilespmem:s21], [sflag:$0x4] =	stream.linear.gather @!p0 [hbm4b:s9+s0], $0x2800, $0x38;
	[tilespmem:$0xA400] =	vst v63  }
0x22: {  	[bflag:$0x0] =	sbarrier.arrive $0xFFFF  }
0x23: {  	_ =	swait.ge [sflag:s15], $0x200  }
0x24: {  	[sflag:s15] =	ssyncset.done $0x0  }
0x25: {  	[sflag:s15] =	ssyncadd.s32 $0xFFFFFE00  }
0x26: {  	_ =	swait.ge [sflag:s13], $0x2800  }
0x27: {  	[sflag:s13] =	ssyncset.done $0x0  }
0x28: {  	[sflag:s13] =	ssyncadd.s32 $0xFFFFD800  }
0x29: {  	[spmem:s2] =	stream.indirect.scatter.add.f32 [tilespmem:s6], [sflag:$0x6], $0x80, s8, s20, $0xb8;
	[tilespmem:$0xA400] =	vst v63  }
0x2a: {  	_ =	swait.ge [sflag:s4], $0x2800  }
0x2b: {  	[sflag:s4] =	ssyncset.done $0x0  }
0x2c: {  	s22 =	simm.s32 @!p2 $0x2;
	[sflag:s4] =	ssyncadd.s32 $0xFFFFD800  }
0x2d: {  	_ =	swait.ge @!p2 [sflag:s22], $0x2800  }
0x2e: {  	s23 =	simm.s32 @!p2 $0x6;
	[sflag:s22] =	ssyncset.done @!p2 $0x0  }
0x2f: {  	s24 =	simm.s32 @!p2 $0x50;
	s25 =	simm.s32 @!p2 $0xA080;
	[sflag:s22] =	ssyncadd.s32 @!p2 $0xFFFFD800  }
0x30: {  	[spmem:s2] =	stream.indirect.scatter.add.f32 @!p2 [tilespmem:s17], [sflag:$0x6], $0x80, s25, s24, $0xb8;
	[tilespmem:$0xA400] =	vst v63  }
0x31: {  	_ =	swait.ge @!p2 [sflag:s23], $0x2800  }
0x32: {  	[sflag:s23] =	ssyncset.done @!p2 $0x0  }
0x33: {  	s26 =	simm.s32 @!p1 $0x3;
	[sflag:s23] =	ssyncadd.s32 @!p2 $0xFFFFD800  }
0x34: {  	_ =	swait.ge @!p1 [sflag:s26], $0x2800  }
0x35: {  	s28 =	simm.s32 @!p1 $0x6;
	[sflag:s26] =	ssyncset.done @!p1 $0x0  }
0x36: {  	s29 =	simm.s32 @!p1 $0x50;
	s30 =	simm.s32 @!p1 $0xA100;
	[sflag:s26] =	ssyncadd.s32 @!p1 $0xFFFFD800  }
0x37: {  	[spmem:s2] =	stream.indirect.scatter.add.f32 @!p1 [tilespmem:s19], [sflag:$0x6], $0x80, s30, s29, $0xb8;
	[tilespmem:$0xA400] =	vst v63  }
0x38: {  	_ =	swait.ge @!p1 [sflag:s28], $0x2800  }
0x39: {  	[sflag:s28] =	ssyncset.done @!p1 $0x0  }
0x3a: {  	s31 =	simm.s32 @!p0 $0x4;
	[sflag:s28] =	ssyncadd.s32 @!p1 $0xFFFFD800  }
0x3b: {  	_ =	swait.ge @!p0 [sflag:s31], $0x2800  }
0x3c: {  	s1 =	simm.s32 @!p0 $0x50;
	[sflag:s31] =	ssyncset.done @!p0 $0x0  }
0x3d: {  	s14 =	simm.s32 @!p0 $0xA180;
	s0 =	simm.s32 @!p0 $0x6;
	[sflag:s31] =	ssyncadd.s32 @!p0 $0xFFFFD800  }
0x3e: {  	[spmem:s2] =	stream.indirect.scatter.add.f32 @!p0 [tilespmem:s21], [sflag:$0x6], $0x80, s14, s1, $0xb8;
	[tilespmem:$0xA400] =	vst v63  }
0x3f: {  	s16 =	sadd.s32 $0xFFFFFFFF, s16;
	_ =	swait.ge @!p0 [sflag:s0], $0x2800  }
0x40: {  	p4 =	sne.s32 s16, $0x0;
	[sflag:s0] =	ssyncset.done @!p0 $0x0  }
.Ltmp1:
0x41: {  	[sflag:s0] =	ssyncadd.s32 @!p0 $0xFFFFD800;
	(pc) =	sbr.rel @!p4 .LBB2_2-.Ltmp1, $4  }
0x42: {  	[bflag:$0x0] =	sbarrier.arrive $0xFFFF  }
0x43: {  	[hbm:s7], [sflag:s3] =	dma.local [spmem:s5], $0x40  }
0x44: {  	p3 =	por $0x1, $0x1;
	_ =	swait.ge [sflag:s4], $0x40  }
0x45: {  	s20 =	simm.s32 $0x50;
	s18 =	rddreg [dreg:$0x4];
	[sflag:s4] =	ssyncset.done $0x0  }
.LBB2_3:
0x46: {  	[sflag:s4] =	ssyncadd.s32 $0xFFFFFFC0  }
0x47: {  	[spmem:s5], [sflag:s3] =	dma.local [hbm:s18], $0x40  }
0x48: {  	_ =	swait.ge [sflag:s4], $0x40  }
0x49: {  	[sflag:s4] =	ssyncset.done $0x0  }
0x4a: {  	s18 =	rddreg [dreg:$0x5];
	[sflag:s4] =	ssyncadd.s32 $0xFFFFFFC0  }
0x4b: {  	[tilespmem:s8], [sflag:$0x5] =	stream.linear.gather [hbm4b:s18+s6], $0x200, $0x38;
	[tilespmem:$0xA400] =	vst v63  }
0x4c: {  	_ = 	snop  }
0x4d: {  	[tilespmem:s6], [sflag:$0x1] =	stream.linear.gather [hbm4b:s11+s6], $0x2800, $0x38;
	[tilespmem:$0xA400] =	vst v63  }
0x4e: {  	s18 =	simm.s32 @!p2 $0x0  }
0x4f: {  	[tilespmem:s17], [sflag:$0x2] =	stream.linear.gather @!p2 [hbm4b:s12+s18], $0x2800, $0x38;
	[tilespmem:$0xA400] =	vst v63  }
0x50: {  	s18 =	simm.s32 @!p1 $0x0  }
0x51: {  	[tilespmem:s19], [sflag:$0x3] =	stream.linear.gather @!p1 [hbm4b:s10+s18], $0x2800, $0x38;
	[tilespmem:$0xA400] =	vst v63  }
0x52: {  	s18 =	simm.s32 @!p0 $0x0  }
0x53: {  	[tilespmem:s21], [sflag:$0x4] =	stream.linear.gather @!p0 [hbm4b:s9+s18], $0x2800, $0x38;
	[tilespmem:$0xA400] =	vst v63  }
0x54: {  	[bflag:$0x0] =	sbarrier.arrive $0xFFFF  }
0x55: {  	_ =	swait.ge [sflag:s15], $0x200  }
0x56: {  	[sflag:s15] =	ssyncset.done $0x0  }
0x57: {  	[sflag:s15] =	ssyncadd.s32 $0xFFFFFE00  }
0x58: {  	_ =	swait.ge [sflag:s13], $0x2800  }
0x59: {  	[sflag:s13] =	ssyncset.done $0x0  }
0x5a: {  	[sflag:s13] =	ssyncadd.s32 $0xFFFFD800  }
0x5b: {  	[spmem:s2] =	stream.indirect.scatter.add.f32 [tilespmem:s6], [sflag:$0x6], $0x80, s8, s20, $0xb8;
	[tilespmem:$0xA400] =	vst v63  }
0x5c: {  	_ =	swait.ge [sflag:s4], $0x2800  }
0x5d: {  	[sflag:s4] =	ssyncset.done $0x0  }
0x5e: {  	[sflag:s4] =	ssyncadd.s32 $0xFFFFD800  }
0x5f: {  	_ =	swait.ge @!p2 [sflag:s22], $0x2800  }
0x60: {  	[sflag:s22] =	ssyncset.done @!p2 $0x0  }
0x61: {  	[sflag:s22] =	ssyncadd.s32 @!p2 $0xFFFFD800  }
0x62: {  	[spmem:s2] =	stream.indirect.scatter.add.f32 @!p2 [tilespmem:s17], [sflag:$0x6], $0x80, s25, s24, $0xb8;
	[tilespmem:$0xA400] =	vst v63  }
0x63: {  	_ =	swait.ge @!p2 [sflag:s23], $0x2800  }
0x64: {  	[sflag:s23] =	ssyncset.done @!p2 $0x0  }
0x65: {  	[sflag:s23] =	ssyncadd.s32 @!p2 $0xFFFFD800  }
0x66: {  	_ =	swait.ge @!p1 [sflag:s26], $0x2800  }
0x67: {  	[sflag:s26] =	ssyncset.done @!p1 $0x0  }
0x68: {  	[sflag:s26] =	ssyncadd.s32 @!p1 $0xFFFFD800  }
0x69: {  	[spmem:s2] =	stream.indirect.scatter.add.f32 @!p1 [tilespmem:s19], [sflag:$0x6], $0x80, s30, s29, $0xb8;
	[tilespmem:$0xA400] =	vst v63  }
0x6a: {  	_ =	swait.ge @!p1 [sflag:s28], $0x2800  }
0x6b: {  	[sflag:s28] =	ssyncset.done @!p1 $0x0  }
0x6c: {  	[sflag:s28] =	ssyncadd.s32 @!p1 $0xFFFFD800  }
0x6d: {  	_ =	swait.ge @!p0 [sflag:s31], $0x2800  }
0x6e: {  	[sflag:s31] =	ssyncset.done @!p0 $0x0  }
0x6f: {  	[sflag:s31] =	ssyncadd.s32 @!p0 $0xFFFFD800  }
0x70: {  	[spmem:s2] =	stream.indirect.scatter.add.f32 @!p0 [tilespmem:s21], [sflag:$0x6], $0x80, s14, s1, $0xb8;
	[tilespmem:$0xA400] =	vst v63  }
0x71: {  	s16 =	sadd.s32 $0xFFFFFFFF, s16;
	_ =	swait.ge @!p0 [sflag:s0], $0x2800  }
0x72: {  	p4 =	sne.s32 s16, $0x0;
	[sflag:s0] =	ssyncset.done @!p0 $0x0  }
.Ltmp2:
0x73: {  	[sflag:s0] =	ssyncadd.s32 @!p0 $0xFFFFD800;
	(pc) =	sbr.rel @p4 .LBB2_3-.Ltmp2, $4  }
0x74: {  	[bflag:$0x0] =	sbarrier.arrive $0xFFFF  }
0x75: {  	[hbm:s7], [sflag:s3] =	dma.local [spmem:s5], $0x40  }
0x76: {  	_ =	swait.ge [sflag:s4], $0x40  }
0x77: {  	s18 =	rddreg [dreg:$0x4];
	[sflag:s4] =	ssyncset.done $0x0  }
0x78: {  	s17 =	rddreg [dreg:$0x3];
	s19 =	stileid.u32;
	s20 =	simm.s32 $0x50  }
.LBB2_5:
0x79: {  	[sflag:s4] =	ssyncadd.s32 @p3 $0xFFFFFFC0  }
0x7a: {  	[spmem:s5], [sflag:s3] =	dma.local [hbm:s18], $0x40  }
0x7b: {  	_ =	swait.ge [sflag:s4], $0x40  }
0x7c: {  	[sflag:s4] =	ssyncset.done $0x0  }
0x7d: {  	s0 =	rddreg [dreg:$0x5];
	[sflag:s4] =	ssyncadd.s32 $0xFFFFFFC0  }
0x7e: {  	[tilespmem:s8], [sflag:$0x5] =	stream.linear.gather [hbm4b:s0+s6], $0x200, $0x38;
	[tilespmem:$0xA400] =	vst v63  }
0x7f: {  	_ = 	snop  }
0x80: {  	[tilespmem:s6], [sflag:$0x1] =	stream.linear.gather [hbm4b:s11+s6], $0x2800, $0x38;
	[tilespmem:$0xA400] =	vst v63  }
0x81: {  	s1 =	simm.s32 @!p2 $0x2800;
	s0 =	simm.s32 @!p2 $0x0  }
0x82: {  	[tilespmem:s1], [sflag:$0x2] =	stream.linear.gather @!p2 [hbm4b:s12+s0], $0x2800, $0x38;
	[tilespmem:$0xA400] =	vst v63  }
0x83: {  	s11 =	simm.s32 @!p1 $0x5000;
	s0 =	simm.s32 @!p1 $0x0  }
0x84: {  	[tilespmem:s11], [sflag:$0x3] =	stream.linear.gather @!p1 [hbm4b:s10+s0], $0x2800, $0x38;
	[tilespmem:$0xA400] =	vst v63  }
0x85: {  	s0 =	simm.s32 @!p0 $0x0;
	s10 =	simm.s32 @!p0 $0x7800  }
0x86: {  	[tilespmem:s10], [sflag:$0x4] =	stream.linear.gather @!p0 [hbm4b:s9+s0], $0x2800, $0x38;
	[tilespmem:$0xA400] =	vst v63  }
0x87: {  	[bflag:$0x0] =	sbarrier.arrive $0xFFFF  }
0x88: {  	_ =	swait.ge [sflag:s15], $0x200  }
0x89: {  	[sflag:s15] =	ssyncset.done $0x0  }
0x8a: {  	[sflag:s15] =	ssyncadd.s32 $0xFFFFFE00  }
0x8b: {  	_ =	swait.ge [sflag:s13], $0x2800  }
0x8c: {  	[sflag:s13] =	ssyncset.done $0x0  }
0x8d: {  	[sflag:s13] =	ssyncadd.s32 $0xFFFFD800  }
0x8e: {  	[spmem:s2] =	stream.indirect.scatter.add.f32 [tilespmem:s6], [sflag:$0x6], $0x80, s8, s20, $0xb8;
	[tilespmem:$0xA400] =	vst v63  }
0x8f: {  	_ =	swait.ge [sflag:s4], $0x2800  }
0x90: {  	[sflag:s4] =	ssyncset.done $0x0  }
0x91: {  	s0 =	simm.s32 @!p2 $0x2;
	[sflag:s4] =	ssyncadd.s32 $0xFFFFD800  }
0x92: {  	_ =	swait.ge @!p2 [sflag:s0], $0x2800  }
0x93: {  	s6 =	simm.s32 @!p2 $0x6;
	[sflag:s0] =	ssyncset.done @!p2 $0x0  }
0x94: {  	s8 =	simm.s32 @!p2 $0xA080;
	[sflag:s0] =	ssyncadd.s32 @!p2 $0xFFFFD800;
	s0 =	simm.s32 @!p2 $0x50  }
0x95: {  	[spmem:s2] =	stream.indirect.scatter.add.f32 @!p2 [tilespmem:s1], [sflag:$0x6], $0x80, s8, s0, $0xb8;
	[tilespmem:$0xA400] =	vst v63  }
0x96: {  	_ =	swait.ge @!p2 [sflag:s6], $0x2800  }
0x97: {  	[sflag:s6] =	ssyncset.done @!p2 $0x0  }
0x98: {  	s0 =	simm.s32 @!p1 $0x3;
	[sflag:s6] =	ssyncadd.s32 @!p2 $0xFFFFD800  }
0x99: {  	_ =	swait.ge @!p1 [sflag:s0], $0x2800  }
0x9a: {  	s1 =	simm.s32 @!p1 $0x6;
	[sflag:s0] =	ssyncset.done @!p1 $0x0  }
0x9b: {  	s6 =	simm.s32 @!p1 $0xA100;
	[sflag:s0] =	ssyncadd.s32 @!p1 $0xFFFFD800;
	s0 =	simm.s32 @!p1 $0x50  }
0x9c: {  	[spmem:s2] =	stream.indirect.scatter.add.f32 @!p1 [tilespmem:s11], [sflag:$0x6], $0x80, s6, s0, $0xb8;
	[tilespmem:$0xA400] =	vst v63  }
0x9d: {  	_ =	swait.ge @!p1 [sflag:s1], $0x2800  }
0x9e: {  	[sflag:s1] =	ssyncset.done @!p1 $0x0  }
0x9f: {  	s0 =	simm.s32 @!p0 $0x4;
	[sflag:s1] =	ssyncadd.s32 @!p1 $0xFFFFD800  }
0xa0: {  	_ =	swait.ge @!p0 [sflag:s0], $0x2800  }
0xa1: {  	s6 =	simm.s32 @!p0 $0xA180;
	[sflag:s0] =	ssyncset.done @!p0 $0x0  }
0xa2: {  	s1 =	simm.s32 @!p0 $0x6;
	[sflag:s0] =	ssyncadd.s32 @!p0 $0xFFFFD800;
	s0 =	simm.s32 @!p0 $0x50  }
0xa3: {  	[spmem:s2] =	stream.indirect.scatter.add.f32 @!p0 [tilespmem:s10], [sflag:$0x6], $0x80, s6, s0, $0xb8;
	[tilespmem:$0xA400] =	vst v63  }
0xa4: {  	_ =	swait.ge @!p0 [sflag:s1], $0x2800  }
0xa5: {  	[sflag:s1] =	ssyncset.done @!p0 $0x0  }
0xa6: {  	[sflag:s1] =	ssyncadd.s32 @!p0 $0xFFFFD800  }
0xa7: {  	[bflag:$0x0] =	sbarrier.arrive $0xFFFF  }
0xa8: {  	[hbm:s7], [sflag:s3] =	dma.local [spmem:s5], $0x40  }
0xa9: {  	_ =	swait.ge [sflag:s4], $0x40  }
0xaa: {  	[sflag:s4] =	ssyncset.done $0x0  }
0xab: {  	[sflag:s4] =	ssyncadd.s32 $0xFFFFFFC0  }
0xac: {  	_ =	sfence.sel $0x180000  }
0xad: {  	[bflag:$0x0] =	sbarrier.arrive $0xFFFF  }
0xae: {  	p0 =	sne.s32 s19, $0x0;
	_ =	strace $0x90000047  }
0xaf: {  	s0 =	sadd.s32 @!p0 $0x100000, s17;
	[bflag:$0x2] =	sbarrier.arrive $0xFFFF  }
0xb0: {  	[sflag:s0] =	ssyncadd.tile.s32 @!p0 $0x1;
	_ =	shalt  }
.LBB2_2:
.Ltmp3:
0xb1: {  	(pc) =	sbr.rel .LBB2_5-.Ltmp3, $2  }
0xb2: {  	_ =	sdelay $0x2  }
0xb3: {  	s17 =	rddreg [dreg:$0x3];
	s19 =	stileid.u32;
	s20 =	simm.s32 $0x50  }
.Lfunc_end2:
_tile_overlayer_lowered:
.L_overlay_start_2:
0xb4: {  	(tag) =	ssettag $0x2  }
0xb5: {  	s0 =	rddreg [dreg:$0x0];
	s2 =	stileid.u32  }
0xb6: {  	s1 =	rddreg [dreg:$0x1];
	p0 =	sne.s32 s2, $0x0  }
0xb7: {  	s3 =	rddreg [dreg:$0x2];
	[bflag:$0x3] =	sbarrier.arrive $0xFFFF;
	s2 =	simm.s32 @!p0 $0x1C06  }
0xb8: {  	[timem:s3], [sflag:s2] =	dma.local @!p0 [hbm:s0], s1  }
0xb9: {  	s0 =	simm.s32 @!p0 $0x6  }
0xba: {  	_ =	swait.ge @!p0 [sflag:s0], s1  }
0xbb: {  	s1 =	ssub.s32 @!p0 $0x0, s1;
	[sflag:s0] =	ssyncset.done @!p0 $0x0  }
0xbc: {  	[sflag:s0] =	ssyncadd.s32 @!p0 s1  }
0xbd: {  	[bflag:$0x3] =	sbarrier.arrive $0xFFFF  }
0xbe: {  	_ =	shalt  }

</sc_bundles>
